<compile_context>
chip_gen: v7x
topology: tpu7x:2x2x1
jax: 0.10.2.dev20260603
libtpu: 0.0.44.dev20260713+nightly
codegen_flags: <defaults>
</compile_context>

<pallas_src>
import functools

import jax
import jax.numpy as jnp
from jax import lax
from jax.experimental import pallas as pl
from jax.experimental.pallas import tpu as pltpu
from jax.experimental.pallas import tpu_sc as plsc

N = 10000
NP = 10240
E = 160000
CH = 128
NCH1 = 80
NCH2 = 40
EP = 16 * NCH1 * CH
STRIPE = NP // 16

_MESH = plsc.VectorSubcoreMesh(
    core_axis_name="c", subcore_axis_name="s", num_cores=2, num_subcores=16)


@functools.partial(
    pl.kernel,
    out_type=jax.ShapeDtypeStruct((2, NP), jnp.float32),
    mesh=_MESH,
    scratch_types=[
        pltpu.VMEM((NCH2, CH), jnp.int32),
        pltpu.VMEM((CH,), jnp.float32),
        pltpu.VMEM_SHARED((NP,), jnp.float32),
    ],
)
def _deg(col_hbm, zeros1_hbm, out_hbm, col_v, ones_v, deg_sh):
    c = lax.axis_index("c")
    s = lax.axis_index("s")
    pltpu.sync_copy(col_hbm.at[c, s], col_v)

    @pl.loop(0, CH // 16)
    def _fill(i):
        ones_v[pl.ds(i * 16, 16)] = jnp.full((16,), 1.0, jnp.float32)

    pltpu.sync_copy(zeros1_hbm.at[pl.ds(s * STRIPE, STRIPE)],
                    deg_sh.at[pl.ds(s * STRIPE, STRIPE)])
    plsc.subcore_barrier()

    @pl.loop(0, NCH2)
    def _scat(g):
        pltpu.sync_copy(ones_v, deg_sh.at[col_v.at[g]], add=True)

    plsc.subcore_barrier()
    pltpu.sync_copy(deg_sh.at[pl.ds(s * STRIPE, STRIPE)],
                    out_hbm.at[c, pl.ds(s * STRIPE, STRIPE)])


def _make_spmm(n_chunks, fw, params=None):
    @functools.partial(
        pl.kernel,
        out_type=jax.ShapeDtypeStruct((2, NP, fw), jnp.float32),
        mesh=_MESH,
        scratch_types=[
            pltpu.VMEM((n_chunks, CH), jnp.int32),
            pltpu.VMEM((n_chunks, CH), jnp.int32),
            pltpu.VMEM((CH, fw), jnp.float32),
            pltpu.SemaphoreType.DMA,
            pltpu.VMEM_SHARED((NP, fw), jnp.float32),
        ],
        compiler_params=params,
    )
    def spmm(row_hbm, col_hbm, table_hbm, zeros2_hbm, out_hbm,
             row_v, col_v, buf, gsem, acc_sh):
        c = lax.axis_index("c")
        s = lax.axis_index("s")
        pltpu.sync_copy(row_hbm.at[c, s], row_v)
        pltpu.sync_copy(col_hbm.at[c, s], col_v)
        pltpu.sync_copy(zeros2_hbm, acc_sh.at[pl.ds(s * STRIPE, STRIPE)])
        plsc.subcore_barrier()

        @pl.loop(0, n_chunks)
        def _chunk(g):
            pltpu.async_copy(table_hbm.at[row_v.at[g]], buf, gsem).wait()
            pltpu.sync_copy(buf, acc_sh.at[col_v.at[g]], add=True)

        plsc.subcore_barrier()
        pltpu.sync_copy(acc_sh.at[pl.ds(s * STRIPE, STRIPE)],
                        out_hbm.at[c, pl.ds(s * STRIPE, STRIPE)])

    return spmm


_spmm1 = _make_spmm(NCH1, 128)


@functools.partial(
    pl.kernel,
    out_type=jax.ShapeDtypeStruct((2, NP, 64), jnp.float32),
    mesh=_MESH,
    scratch_types=[
        pltpu.VMEM((NCH1, CH), jnp.int32),
        pltpu.VMEM((NCH1, CH), jnp.int32),
        pltpu.VMEM((CH, 64), jnp.float32),
        pltpu.VMEM((64, 64), jnp.float32),
        pltpu.VMEM((STRIPE, 16), jnp.float32),
        pltpu.VMEM((64,), jnp.float32),
        pltpu.SemaphoreType.DMA,
        pltpu.VMEM_SHARED((NP, 64), jnp.float32),
    ],
    compiler_params=pltpu.CompilerParams(use_tc_tiling_on_sc=False),
)
def _spmm2_fused(row_hbm, col_hbm, table_hbm, dinv_hbm, b2_hbm, out_hbm,
                 row_v, col_v, buf, pa, dinv_v, b2v, gsem, acc_sh):
    c = lax.axis_index("c")
    s = lax.axis_index("s")
    pltpu.sync_copy(row_hbm.at[c, s], row_v)
    pltpu.sync_copy(col_hbm.at[c, s], col_v)
    pltpu.sync_copy(table_hbm.at[pl.ds(c * NP + s * STRIPE, STRIPE)],
                    acc_sh.at[pl.ds(s * STRIPE, STRIPE)])
    pltpu.sync_copy(dinv_hbm.at[pl.ds(s * STRIPE, STRIPE), pl.ds(0, 16)],
                    dinv_v)
    pltpu.sync_copy(b2_hbm.at[c], b2v)
    plsc.subcore_barrier()

    @pl.loop(0, NCH1)
    def _chunk(g):
        pltpu.async_copy(table_hbm.at[row_v.at[g]], buf, gsem).wait()
        pltpu.sync_copy(buf, acc_sh.at[col_v.at[g]], add=True)

    plsc.subcore_barrier()

    @pl.loop(0, STRIPE // 64)
    def _piece(k):
        base = s * STRIPE + k * 64
        pltpu.sync_copy(acc_sh.at[pl.ds(base, 64)], pa)

        @pl.loop(0, 64)
        def _row(r):
            dvec = dinv_v[k * 64 + r, pl.ds(0, 16)]
            for j in range(4):
                sl = pl.ds(j * 16, 16)
                pa[r, sl] = pa[r, sl] * dvec + b2v[sl]

        pltpu.sync_copy(pa, out_hbm.at[c, pl.ds(base, 64)])


def _mm1_body(x_ref, w_ref, dega_ref, degb_ref, ht0_ref, ht1_ref, dinv_ref):
    deg = dega_ref[...] + degb_ref[...] + 1.0
    d = jnp.broadcast_to(lax.rsqrt(deg), (128, 128))
    h = jnp.dot(x_ref[...], w_ref[...], preferred_element_type=jnp.float32)
    ht0_ref[...] = h[:, :128] * d
    ht1_ref[...] = h[:, 128:] * d
    dinv_ref[...] = d


def _mm1_prescale(xp, w1, dega, degb):
    return pl.pallas_call(
        _mm1_body,
        grid=(NP // 128,),
        in_specs=[pl.BlockSpec((128, 256), lambda i: (i, 0)),
                  pl.BlockSpec((256, 256), lambda i: (0, 0)),
                  pl.BlockSpec((128, 1), lambda i: (i, 0)),
                  pl.BlockSpec((128, 1), lambda i: (i, 0))],
        out_specs=[pl.BlockSpec((128, 128), lambda i: (i, 0))] * 3,
        out_shape=[jax.ShapeDtypeStruct((NP, 128), jnp.float32)] * 3,
    )(xp, w1, dega, degb)


def _mid_body(a0_ref, a1_ref, t0_ref, t1_ref, dinv_ref, b0_ref, b1_ref,
              w_ref, o0_ref, o1_ref):
    d = dinv_ref[...]
    r0 = jnp.maximum((a0_ref[...] + t0_ref[...]) * d + b0_ref[...], 0.0)
    r1 = jnp.maximum((a1_ref[...] + t1_ref[...]) * d + b1_ref[...], 0.0)
    w = w_ref[...]
    h2 = (jnp.dot(r0, w[:128, :], preferred_element_type=jnp.float32)
          + jnp.dot(r1, w[128:, :], preferred_element_type=jnp.float32))
    ht2 = h2 * d
    o0_ref[...] = ht2[:, :64]
    o1_ref[...] = ht2[:, 64:]


def _mid(a0, a1, t0, t1, dinv, b0r, b1r, w2):
    spec128 = pl.BlockSpec((128, 128), lambda i: (i, 0))
    spec64 = pl.BlockSpec((128, 64), lambda i: (i, 0))
    return pl.pallas_call(
        _mid_body,
        grid=(NP // 128,),
        in_specs=[spec128, spec128, spec128, spec128, spec128,
                  pl.BlockSpec((1, 128), lambda i: (0, 0)),
                  pl.BlockSpec((1, 128), lambda i: (0, 0)),
                  pl.BlockSpec((256, 128), lambda i: (0, 0))],
        out_specs=[spec64, spec64],
        out_shape=[jax.ShapeDtypeStruct((NP, 64), jnp.float32)] * 2,
    )(a0, a1, t0, t1, dinv, b0r, b1r, w2)


def kernel(x, edge_index, W1, b1, W2, b2):
    ei = edge_index.astype(jnp.int32)
    pad = jnp.full((EP - E,), N, jnp.int32)
    rowp = jnp.concatenate([ei[0], pad])
    colp = jnp.concatenate([ei[1], pad])
    row_l1h = rowp.reshape(16, NCH1, CH)
    row_l1 = jnp.stack([row_l1h, row_l1h + NP])
    col_l1 = jnp.broadcast_to(colp.reshape(1, 16, NCH1, CH),
                              (2, 16, NCH1, CH))
    col_l2 = colp.reshape(2, 16, NCH2, CH)

    zeros1 = jnp.zeros((NP,), jnp.float32)
    zeros2 = jnp.zeros((STRIPE, 128), jnp.float32)
    xp = jnp.pad(x, ((0, NP - N), (0, 0)))

    deg = _deg(col_l2, zeros1)
    ht0, ht1, dinv = _mm1_prescale(xp, W1, deg[0].reshape(NP, 1),
                                   deg[1].reshape(NP, 1))
    table1 = jnp.concatenate([ht0, ht1], axis=0)
    acc1 = _spmm1(row_l1, col_l1, table1, zeros2)
    t2a, t2b = _mid(acc1[0], acc1[1], ht0, ht1, dinv,
                    b1[:128].reshape(1, 128), b1[128:].reshape(1, 128), W2)
    table2 = jnp.concatenate([t2a, t2b], axis=0)
    out2 = _spmm2_fused(row_l1, col_l1, table2, dinv,
                        b2.reshape(2, 64))
    return jnp.concatenate([out2[0], out2[1]], axis=1)[:N]

# --- scband reference (transcript-rebuilt; emitter-appended) ---
"""Pipeline reference for scband-evolve-gcn-44220983280297 (READ-ONLY COPY).

The authoritative reference and input builder live on the scoring server;
editing this copy changes nothing except your own understanding.
"""

import jax, jax.numpy as jnp
import numpy as np

N_NODES = 10000
N_EDGES = 160000
IN_DIM = 256
HID_DIM = 256
OUT_DIM = 128


def setup_inputs(seed: int = 0) -> dict:
    key = jax.random.key(seed)
    k1, k2, k3, k4, k5, k6 = jax.random.split(key, 6)
    x = jax.random.normal(k1, (N_NODES, IN_DIM), dtype=jnp.float32)
    edge_index = jax.random.randint(k2, (2, N_EDGES), 0, N_NODES, dtype=jnp.int64)
    # GCNConv weights: stored as [in, out] so forward is x @ W (torch lin.weight is [out,in])
    W1 = jax.random.normal(k3, (IN_DIM, HID_DIM), dtype=jnp.float32) * (1.0 / np.sqrt(IN_DIM))
    b1 = jnp.zeros((HID_DIM,), dtype=jnp.float32)
    W2 = jax.random.normal(k4, (HID_DIM, OUT_DIM), dtype=jnp.float32) * (1.0 / np.sqrt(HID_DIM))
    b2 = jnp.zeros((OUT_DIM,), dtype=jnp.float32)
    return {"x": x, "edge_index": edge_index, "W1": W1, "b1": b1, "W2": W2, "b2": b2}


def _gcn_conv(x, edge_index, W, b, num_nodes):
    # PyG GCNConv: x' = D^{-1/2} (A + I) D^{-1/2} (x W) + b
    h = x @ W
    row = edge_index[0]
    col = edge_index[1]
    loop = jnp.arange(num_nodes, dtype=row.dtype)
    row = jnp.concatenate([row, loop])
    col = jnp.concatenate([col, loop])
    deg = jnp.zeros((num_nodes,), dtype=h.dtype).at[col].add(1.0)
    dinv = jnp.where(deg > 0, jax.lax.rsqrt(deg), 0.0)
    norm = dinv[row] * dinv[col]
    msg = h[row] * norm[:, None]
    out = jnp.zeros((num_nodes, h.shape[1]), dtype=h.dtype).at[col].add(msg)
    return out + b


def reference(x, edge_index, W1, b1, W2, b2):
    num_nodes = x.shape[0]
    # layer 1 + relu (dropout is identity in eval mode)
    h = _gcn_conv(x, edge_index, W1, b1, num_nodes)
    h = jax.nn.relu(h)
    # final layer (no activation)
    out = _gcn_conv(h, edge_index, W2, b2, num_nodes)
    return out

if __name__ == "__main__":
    import jax
    _d = setup_inputs()
    print(jax.jit(kernel)(*tuple(_d.values())))

</pallas_src>

<mosaic_0001>
#map = affine_map<(d0, d1) -> (0, 0, 0, 0)>
#map1 = affine_map<(d0, d1) -> (0)>
#map2 = affine_map<(d0, d1) -> (0, 0)>
module attributes {stable_mosaic.version = 14 : i64} {
  func.func @_deg(%arg0: i32, %arg1: i32, %arg2: memref<2x16x40x128xi32, #tpu.memory_space<hbm>>, %arg3: memref<10240xf32, #tpu.memory_space<hbm>>, %arg4: memref<2x10240xf32, #tpu.memory_space<hbm>>, %arg5: memref<40x128xi32, #tpu.memory_space<vmem>>, %arg6: memref<128xf32, #tpu.memory_space<vmem>>, %arg7: memref<10240xf32, #tpu.memory_space<vmem_shared>>) attributes {dimension_semantics = [#tpu.dimension_semantics<core_parallel>, #tpu.dimension_semantics<subcore_parallel>], iteration_bounds = array<i64: 2, 16>, scalar_prefetch = 0 : i64, scratch_operands = 3 : i64, tpu.core_type = #tpu.core_type<sc_vector_subcore>, window_params = [{transform_indices = #map}, {transform_indices = #map1}, {transform_indices = #map2}]} {
    "tpu.region"() ({
      %run_scoped3A = tpu.sem_alloc : memref<!tpu.dma_semaphore, #tpu.memory_space<semaphore_mem>>
      %dma_start3A = arith.constant 0 : i32
      %dma_start3A_17 = arith.constant 0 : i32
      %dma_start3A_18 = tpu.memref_slice %arg2[%arg0, %arg1, %dma_start3A, %dma_start3A_17] : memref<2x16x40x128xi32, #tpu.memory_space<hbm>> -> memref<1x1x40x128xi32, #tpu.memory_space<hbm>>
      %dma_start3A_19 = tpu.memref_squeeze %dma_start3A_18 : memref<1x1x40x128xi32, #tpu.memory_space<hbm>> -> memref<40x128xi32, #tpu.memory_space<hbm>>
      %dma_start3A_20 = arith.constant 0 : i32
      %dma_start3A_21 = arith.constant 0 : i32
      %dma_start3A_22 = tpu.memref_slice %arg2[%arg0, %arg1, %dma_start3A_20, %dma_start3A_21] : memref<2x16x40x128xi32, #tpu.memory_space<hbm>> -> memref<1x1x40x128xi32, #tpu.memory_space<hbm>>
      %dma_start3A_23 = tpu.memref_squeeze %dma_start3A_22 : memref<1x1x40x128xi32, #tpu.memory_space<hbm>> -> memref<40x128xi32, #tpu.memory_space<hbm>>
      tpu.enqueue_dma source(%dma_start3A_23 : memref<40x128xi32, #tpu.memory_space<hbm>>) target(%arg5 : memref<40x128xi32, #tpu.memory_space<vmem>>) target_semaphore(%run_scoped3A : memref<!tpu.dma_semaphore, #tpu.memory_space<semaphore_mem>>)
      %dma_wait3A = arith.constant 0 : i32
      %dma_wait3A_24 = arith.constant 0 : i32
      %dma_wait3A_25 = tpu.memref_slice %arg2[%arg0, %arg1, %dma_wait3A, %dma_wait3A_24] : memref<2x16x40x128xi32, #tpu.memory_space<hbm>> -> memref<1x1x40x128xi32, #tpu.memory_space<hbm>>
      %dma_wait3A_26 = tpu.memref_squeeze %dma_wait3A_25 : memref<1x1x40x128xi32, #tpu.memory_space<hbm>> -> memref<40x128xi32, #tpu.memory_space<hbm>>
      %dma_wait3A_27 = arith.constant 0 : i32
      %dma_wait3A_28 = arith.constant 0 : i32
      %dma_wait3A_29 = tpu.memref_slice %arg2[%arg0, %arg1, %dma_wait3A_27, %dma_wait3A_28] : memref<2x16x40x128xi32, #tpu.memory_space<hbm>> -> memref<1x1x40x128xi32, #tpu.memory_space<hbm>>
      %dma_wait3A_30 = tpu.memref_squeeze %dma_wait3A_29 : memref<1x1x40x128xi32, #tpu.memory_space<hbm>> -> memref<40x128xi32, #tpu.memory_space<hbm>>
      tpu.wait_dma2 semaphore(%run_scoped3A : memref<!tpu.dma_semaphore, #tpu.memory_space<semaphore_mem>>) src(%dma_wait3A_30 : memref<40x128xi32, #tpu.memory_space<hbm>>) dst(%arg5 : memref<40x128xi32, #tpu.memory_space<vmem>>)
      tpu.yield
    }) : () -> ()
    %scan3A = arith.constant 0 : i32
    %scan3A_0 = arith.constant 8 : i32
    %scan3A_1 = arith.addi %scan3A, %scan3A_0 : i32
    %scan3A_2 = arith.constant 1 : i32
    scf.for %scan3A_17 = %scan3A to %scan3A_1 step %scan3A_2  : i32 {
      %mul3A_18 = arith.constant 1 : i32
      %mul3A_19 = arith.muli %scan3A_17, %mul3A_18 : i32
      %add3A = arith.constant 0 : i32
      %add3A_20 = arith.addi %add3A, %mul3A_19 : i32
      %broadcast_in_dim3A = arith.constant 1.000000e+00 : f32
      %broadcast_in_dim3A_21 = vector.broadcast %broadcast_in_dim3A : f32 to vector<16xf32>
      %mul3A_22 = arith.constant 16 : i32
      %mul3A_23 = arith.muli %add3A_20, %mul3A_22 : i32
      %swap3A = arith.index_cast %mul3A_23 : i32 to index
      %swap3A_24 = tpu.vector_load %arg6[%swap3A] {strides = array<i32>} : memref<128xf32, #tpu.memory_space<vmem>>, vector<16xf32>,
      %swap3A_25 = vector.shape_cast %swap3A_24 : vector<16xf32> to vector<16xf32>
      %swap3A_26 = vector.shape_cast %broadcast_in_dim3A_21 : vector<16xf32> to vector<16xf32>
      tpu.vector_store %arg6[%swap3A], %swap3A_26 {strides = array<i32>} : memref<128xf32, #tpu.memory_space<vmem>>, vector<16xf32>,
    }
    %scan3A_3 = arith.constant 8 : i32
    %mul3A = arith.constant 640 : i32
    %mul3A_4 = arith.muli %arg1, %mul3A : i32
    %mul3A_5 = arith.constant 640 : i32
    %mul3A_6 = arith.muli %arg1, %mul3A_5 : i32
    "tpu.region"() ({
      %run_scoped3A = tpu.sem_alloc : memref<!tpu.dma_semaphore, #tpu.memory_space<semaphore_mem>>
      %dma_start3A = tpu.memref_slice %arg7[%mul3A_6] : memref<10240xf32, #tpu.memory_space<vmem_shared>> -> memref<640xf32, #tpu.memory_space<vmem_shared>>
      %dma_start3A_17 = tpu.memref_slice %arg3[%mul3A_4] : memref<10240xf32, #tpu.memory_space<hbm>> -> memref<640xf32, #tpu.memory_space<hbm>>
      tpu.enqueue_dma source(%dma_start3A_17 : memref<640xf32, #tpu.memory_space<hbm>>) target(%dma_start3A : memref<640xf32, #tpu.memory_space<vmem_shared>>) target_semaphore(%run_scoped3A : memref<!tpu.dma_semaphore, #tpu.memory_space<semaphore_mem>>)
      %dma_wait3A = tpu.memref_slice %arg7[%mul3A_6] : memref<10240xf32, #tpu.memory_space<vmem_shared>> -> memref<640xf32, #tpu.memory_space<vmem_shared>>
      %dma_wait3A_18 = tpu.memref_slice %arg3[%mul3A_4] : memref<10240xf32, #tpu.memory_space<hbm>> -> memref<640xf32, #tpu.memory_space<hbm>>
      tpu.wait_dma2 semaphore(%run_scoped3A : memref<!tpu.dma_semaphore, #tpu.memory_space<semaphore_mem>>) src(%dma_wait3A_18 : memref<640xf32, #tpu.memory_space<hbm>>) dst(%dma_wait3A : memref<640xf32, #tpu.memory_space<vmem_shared>>)
      tpu.yield
    }) : () -> ()
    %barrier3A = arith.constant 0 : index
    tpu.barrier barrier_id(%barrier3A)
    %scan3A_7 = arith.constant 0 : i32
    %scan3A_8 = arith.constant 40 : i32
    %scan3A_9 = arith.addi %scan3A_7, %scan3A_8 : i32
    %scan3A_10 = arith.constant 1 : i32
    scf.for %scan3A_17 = %scan3A_7 to %scan3A_9 step %scan3A_10  : i32 {
      %mul3A_18 = arith.constant 1 : i32
      %mul3A_19 = arith.muli %scan3A_17, %mul3A_18 : i32
      %add3A = arith.constant 0 : i32
      %add3A_20 = arith.addi %add3A, %mul3A_19 : i32
      "tpu.region"() ({
        %run_scoped3A = tpu.sem_alloc : memref<!tpu.dma_semaphore, #tpu.memory_space<semaphore_mem>>
        %dma_start3A = arith.constant 0 : i32
        %dma_start3A_21 = tpu.memref_slice %arg5[%add3A_20, %dma_start3A] : memref<40x128xi32, #tpu.memory_space<vmem>> -> memref<1x128xi32, #tpu.memory_space<vmem>>
        %dma_start3A_22 = tpu.memref_squeeze %dma_start3A_21 : memref<1x128xi32, #tpu.memory_space<vmem>> -> memref<128xi32, #tpu.memory_space<vmem>>
        %dma_start3A_23 = arith.constant 0 : i32
        %dma_start3A_24 = tpu.memref_slice %arg7[%dma_start3A_23] : memref<10240xf32, #tpu.memory_space<vmem_shared>> -> memref<10240xf32, #tpu.memory_space<vmem_shared>>
        tpu.enqueue_indirect_dma source(%arg6 : memref<128xf32, #tpu.memory_space<vmem>>) target(%dma_start3A_24 : memref<10240xf32, #tpu.memory_space<vmem_shared>>) offsets(%dma_start3A_22 : memref<128xi32, #tpu.memory_space<vmem>>) semaphore(%run_scoped3A : memref<!tpu.dma_semaphore, #tpu.memory_space<semaphore_mem>>) {add = true}
        %dma_wait3A = arith.constant 0 : i32
        %dma_wait3A_25 = tpu.memref_slice %arg5[%add3A_20, %dma_wait3A] : memref<40x128xi32, #tpu.memory_space<vmem>> -> memref<1x128xi32, #tpu.memory_space<vmem>>
        %dma_wait3A_26 = tpu.memref_squeeze %dma_wait3A_25 : memref<1x128xi32, #tpu.memory_space<vmem>> -> memref<128xi32, #tpu.memory_space<vmem>>
        %dma_wait3A_27 = arith.constant 0 : i32
        %dma_wait3A_28 = tpu.memref_slice %arg7[%dma_wait3A_27] : memref<10240xf32, #tpu.memory_space<vmem_shared>> -> memref<10240xf32, #tpu.memory_space<vmem_shared>>
        tpu.wait_indirect_dma semaphore(%run_scoped3A : memref<!tpu.dma_semaphore, #tpu.memory_space<semaphore_mem>>) src(%arg6 : memref<128xf32, #tpu.memory_space<vmem>>) dst(%dma_wait3A_28 : memref<10240xf32, #tpu.memory_space<vmem_shared>>)
        tpu.yield
      }) : () -> ()
    }
    %scan3A_11 = arith.constant 40 : i32
    %barrier3A_12 = arith.constant 0 : index
    tpu.barrier barrier_id(%barrier3A_12)
    %mul3A_13 = arith.constant 640 : i32
    %mul3A_14 = arith.muli %arg1, %mul3A_13 : i32
    %mul3A_15 = arith.constant 640 : i32
    %mul3A_16 = arith.muli %arg1, %mul3A_15 : i32
    "tpu.region"() ({
      %run_scoped3A = tpu.sem_alloc : memref<!tpu.dma_semaphore, #tpu.memory_space<semaphore_mem>>
      %dma_start3A = tpu.memref_slice %arg4[%arg0, %mul3A_16] : memref<2x10240xf32, #tpu.memory_space<hbm>> -> memref<1x640xf32, #tpu.memory_space<hbm>>
      %dma_start3A_17 = tpu.memref_squeeze %dma_start3A : memref<1x640xf32, #tpu.memory_space<hbm>> -> memref<640xf32, #tpu.memory_space<hbm>>
      %dma_start3A_18 = tpu.memref_slice %arg7[%mul3A_14] : memref<10240xf32, #tpu.memory_space<vmem_shared>> -> memref<640xf32, #tpu.memory_space<vmem_shared>>
      tpu.enqueue_dma source(%dma_start3A_18 : memref<640xf32, #tpu.memory_space<vmem_shared>>) target(%dma_start3A_17 : memref<640xf32, #tpu.memory_space<hbm>>) target_semaphore(%run_scoped3A : memref<!tpu.dma_semaphore, #tpu.memory_space<semaphore_mem>>)
      %dma_wait3A = tpu.memref_slice %arg4[%arg0, %mul3A_16] : memref<2x10240xf32, #tpu.memory_space<hbm>> -> memref<1x640xf32, #tpu.memory_space<hbm>>
      %dma_wait3A_19 = tpu.memref_squeeze %dma_wait3A : memref<1x640xf32, #tpu.memory_space<hbm>> -> memref<640xf32, #tpu.memory_space<hbm>>
      %dma_wait3A_20 = tpu.memref_slice %arg7[%mul3A_14] : memref<10240xf32, #tpu.memory_space<vmem_shared>> -> memref<640xf32, #tpu.memory_space<vmem_shared>>
      tpu.wait_dma2 semaphore(%run_scoped3A : memref<!tpu.dma_semaphore, #tpu.memory_space<semaphore_mem>>) src(%dma_wait3A_20 : memref<640xf32, #tpu.memory_space<vmem_shared>>) dst(%dma_wait3A_19 : memref<640xf32, #tpu.memory_space<hbm>>)
      tpu.yield
    }) : () -> ()
    return
  }
}

#map = affine_map<(d0, d1) -> (0, 0, 0, 0)>
#map1 = affine_map<(d0, d1) -> (0, 0)>
#map2 = affine_map<(d0, d1) -> (0, 0, 0)>
module attributes {stable_mosaic.version = 14 : i64} {
  func.func @_spmm2_fused(%arg0: i32, %arg1: i32, %arg2: memref<2x16x80x128xi32, #tpu.memory_space<hbm>>, %arg3: memref<2x16x80x128xi32, #tpu.memory_space<hbm>>, %arg4: memref<20480x64xf32, #tpu.memory_space<hbm>>, %arg5: memref<10240x128xf32, #tpu.memory_space<hbm>>, %arg6: memref<2x64xf32, #tpu.memory_space<hbm>>, %arg7: memref<2x10240x64xf32, #tpu.memory_space<hbm>>, %arg8: memref<80x128xi32, #tpu.memory_space<vmem>>, %arg9: memref<80x128xi32, #tpu.memory_space<vmem>>, %arg10: memref<128x64xf32, #tpu.memory_space<vmem>>, %arg11: memref<64x64xf32, #tpu.memory_space<vmem>>, %arg12: memref<640x16xf32, #tpu.memory_space<vmem>>, %arg13: memref<64xf32, #tpu.memory_space<vmem>>, %arg14: memref<!tpu.dma_semaphore, #tpu.memory_space<semaphore_mem>>, %arg15: memref<10240x64xf32, #tpu.memory_space<vmem_shared>>) attributes {dimension_semantics = [#tpu.dimension_semantics<core_parallel>, #tpu.dimension_semantics<subcore_parallel>], iteration_bounds = array<i64: 2, 16>, scalar_prefetch = 0 : i64, scratch_operands = 8 : i64, tpu.core_type = #tpu.core_type<sc_vector_subcore>, window_params = [{transform_indices = #map}, {transform_indices = #map}, {transform_indices = #map1}, {transform_indices = #map1}, {transform_indices = #map1}, {transform_indices = #map2}]} {
    "tpu.region"() ({
      %run_scoped3A = tpu.sem_alloc : memref<!tpu.dma_semaphore, #tpu.memory_space<semaphore_mem>>
      %dma_start3A = arith.constant 0 : i32
      %dma_start3A_17 = arith.constant 0 : i32
      %dma_start3A_18 = tpu.memref_slice %arg2[%arg0, %arg1, %dma_start3A, %dma_start3A_17] : memref<2x16x80x128xi32, #tpu.memory_space<hbm>> -> memref<1x1x80x128xi32, #tpu.memory_space<hbm>>
      %dma_start3A_19 = tpu.memref_squeeze %dma_start3A_18 : memref<1x1x80x128xi32, #tpu.memory_space<hbm>> -> memref<80x128xi32, #tpu.memory_space<hbm>>
      %dma_start3A_20 = arith.constant 0 : i32
      %dma_start3A_21 = arith.constant 0 : i32
      %dma_start3A_22 = tpu.memref_slice %arg2[%arg0, %arg1, %dma_start3A_20, %dma_start3A_21] : memref<2x16x80x128xi32, #tpu.memory_space<hbm>> -> memref<1x1x80x128xi32, #tpu.memory_space<hbm>>
      %dma_start3A_23 = tpu.memref_squeeze %dma_start3A_22 : memref<1x1x80x128xi32, #tpu.memory_space<hbm>> -> memref<80x128xi32, #tpu.memory_space<hbm>>
      tpu.enqueue_dma source(%dma_start3A_23 : memref<80x128xi32, #tpu.memory_space<hbm>>) target(%arg8 : memref<80x128xi32, #tpu.memory_space<vmem>>) target_semaphore(%run_scoped3A : memref<!tpu.dma_semaphore, #tpu.memory_space<semaphore_mem>>)
      %dma_wait3A = arith.constant 0 : i32
      %dma_wait3A_24 = arith.constant 0 : i32
      %dma_wait3A_25 = tpu.memref_slice %arg2[%arg0, %arg1, %dma_wait3A, %dma_wait3A_24] : memref<2x16x80x128xi32, #tpu.memory_space<hbm>> -> memref<1x1x80x128xi32, #tpu.memory_space<hbm>>
      %dma_wait3A_26 = tpu.memref_squeeze %dma_wait3A_25 : memref<1x1x80x128xi32, #tpu.memory_space<hbm>> -> memref<80x128xi32, #tpu.memory_space<hbm>>
      %dma_wait3A_27 = arith.constant 0 : i32
      %dma_wait3A_28 = arith.constant 0 : i32
      %dma_wait3A_29 = tpu.memref_slice %arg2[%arg0, %arg1, %dma_wait3A_27, %dma_wait3A_28] : memref<2x16x80x128xi32, #tpu.memory_space<hbm>> -> memref<1x1x80x128xi32, #tpu.memory_space<hbm>>
      %dma_wait3A_30 = tpu.memref_squeeze %dma_wait3A_29 : memref<1x1x80x128xi32, #tpu.memory_space<hbm>> -> memref<80x128xi32, #tpu.memory_space<hbm>>
      tpu.wait_dma2 semaphore(%run_scoped3A : memref<!tpu.dma_semaphore, #tpu.memory_space<semaphore_mem>>) src(%dma_wait3A_30 : memref<80x128xi32, #tpu.memory_space<hbm>>) dst(%arg8 : memref<80x128xi32, #tpu.memory_space<vmem>>)
      tpu.yield
    }) : () -> ()
    "tpu.region"() ({
      %run_scoped3A = tpu.sem_alloc : memref<!tpu.dma_semaphore, #tpu.memory_space<semaphore_mem>>
      %dma_start3A = arith.constant 0 : i32
      %dma_start3A_17 = arith.constant 0 : i32
      %dma_start3A_18 = tpu.memref_slice %arg3[%arg0, %arg1, %dma_start3A, %dma_start3A_17] : memref<2x16x80x128xi32, #tpu.memory_space<hbm>> -> memref<1x1x80x128xi32, #tpu.memory_space<hbm>>
      %dma_start3A_19 = tpu.memref_squeeze %dma_start3A_18 : memref<1x1x80x128xi32, #tpu.memory_space<hbm>> -> memref<80x128xi32, #tpu.memory_space<hbm>>
      %dma_start3A_20 = arith.constant 0 : i32
      %dma_start3A_21 = arith.constant 0 : i32
      %dma_start3A_22 = tpu.memref_slice %arg3[%arg0, %arg1, %dma_start3A_20, %dma_start3A_21] : memref<2x16x80x128xi32, #tpu.memory_space<hbm>> -> memref<1x1x80x128xi32, #tpu.memory_space<hbm>>
      %dma_start3A_23 = tpu.memref_squeeze %dma_start3A_22 : memref<1x1x80x128xi32, #tpu.memory_space<hbm>> -> memref<80x128xi32, #tpu.memory_space<hbm>>
      tpu.enqueue_dma source(%dma_start3A_23 : memref<80x128xi32, #tpu.memory_space<hbm>>) target(%arg9 : memref<80x128xi32, #tpu.memory_space<vmem>>) target_semaphore(%run_scoped3A : memref<!tpu.dma_semaphore, #tpu.memory_space<semaphore_mem>>)
      %dma_wait3A = arith.constant 0 : i32
      %dma_wait3A_24 = arith.constant 0 : i32
      %dma_wait3A_25 = tpu.memref_slice %arg3[%arg0, %arg1, %dma_wait3A, %dma_wait3A_24] : memref<2x16x80x128xi32, #tpu.memory_space<hbm>> -> memref<1x1x80x128xi32, #tpu.memory_space<hbm>>
      %dma_wait3A_26 = tpu.memref_squeeze %dma_wait3A_25 : memref<1x1x80x128xi32, #tpu.memory_space<hbm>> -> memref<80x128xi32, #tpu.memory_space<hbm>>
      %dma_wait3A_27 = arith.constant 0 : i32
      %dma_wait3A_28 = arith.constant 0 : i32
      %dma_wait3A_29 = tpu.memref_slice %arg3[%arg0, %arg1, %dma_wait3A_27, %dma_wait3A_28] : memref<2x16x80x128xi32, #tpu.memory_space<hbm>> -> memref<1x1x80x128xi32, #tpu.memory_space<hbm>>
      %dma_wait3A_30 = tpu.memref_squeeze %dma_wait3A_29 : memref<1x1x80x128xi32, #tpu.memory_space<hbm>> -> memref<80x128xi32, #tpu.memory_space<hbm>>
      tpu.wait_dma2 semaphore(%run_scoped3A : memref<!tpu.dma_semaphore, #tpu.memory_space<semaphore_mem>>) src(%dma_wait3A_30 : memref<80x128xi32, #tpu.memory_space<hbm>>) dst(%arg9 : memref<80x128xi32, #tpu.memory_space<vmem>>)
      tpu.yield
    }) : () -> ()
    %mul3A = arith.constant 10240 : i32
    %mul3A_0 = arith.muli %arg0, %mul3A : i32
    %mul3A_1 = arith.constant 640 : i32
    %mul3A_2 = arith.muli %arg1, %mul3A_1 : i32
    %add3A = arith.addi %mul3A_0, %mul3A_2 : i32
    %mul3A_3 = arith.constant 640 : i32
    %mul3A_4 = arith.muli %arg1, %mul3A_3 : i32
    "tpu.region"() ({
      %run_scoped3A = tpu.sem_alloc : memref<!tpu.dma_semaphore, #tpu.memory_space<semaphore_mem>>
      %dma_start3A = arith.constant 0 : i32
      %dma_start3A_17 = tpu.memref_slice %arg15[%mul3A_4, %dma_start3A] : memref<10240x64xf32, #tpu.memory_space<vmem_shared>> -> memref<640x64xf32, #tpu.memory_space<vmem_shared>>
      %dma_start3A_18 = arith.constant 0 : i32
      %dma_start3A_19 = tpu.memref_slice %arg4[%add3A, %dma_start3A_18] : memref<20480x64xf32, #tpu.memory_space<hbm>> -> memref<640x64xf32, #tpu.memory_space<hbm>>
      tpu.enqueue_dma source(%dma_start3A_19 : memref<640x64xf32, #tpu.memory_space<hbm>>) target(%dma_start3A_17 : memref<640x64xf32, #tpu.memory_space<vmem_shared>>) target_semaphore(%run_scoped3A : memref<!tpu.dma_semaphore, #tpu.memory_space<semaphore_mem>>)
      %dma_wait3A = arith.constant 0 : i32
      %dma_wait3A_20 = tpu.memref_slice %arg15[%mul3A_4, %dma_wait3A] : memref<10240x64xf32, #tpu.memory_space<vmem_shared>> -> memref<640x64xf32, #tpu.memory_space<vmem_shared>>
      %dma_wait3A_21 = arith.constant 0 : i32
      %dma_wait3A_22 = tpu.memref_slice %arg4[%add3A, %dma_wait3A_21] : memref<20480x64xf32, #tpu.memory_space<hbm>> -> memref<640x64xf32, #tpu.memory_space<hbm>>
      tpu.wait_dma2 semaphore(%run_scoped3A : memref<!tpu.dma_semaphore, #tpu.memory_space<semaphore_mem>>) src(%dma_wait3A_22 : memref<640x64xf32, #tpu.memory_space<hbm>>) dst(%dma_wait3A_20 : memref<640x64xf32, #tpu.memory_space<vmem_shared>>)
      tpu.yield
    }) : () -> ()
    %mul3A_5 = arith.constant 640 : i32
    %mul3A_6 = arith.muli %arg1, %mul3A_5 : i32
    "tpu.region"() ({
      %run_scoped3A = tpu.sem_alloc : memref<!tpu.dma_semaphore, #tpu.memory_space<semaphore_mem>>
      %dma_start3A = arith.constant 0 : i32
      %dma_start3A_17 = tpu.memref_slice %arg5[%mul3A_6, %dma_start3A] : memref<10240x128xf32, #tpu.memory_space<hbm>> -> memref<640x16xf32, #tpu.memory_space<hbm>>
      %dma_start3A_18 = arith.constant 0 : i32
      %dma_start3A_19 = tpu.memref_slice %arg5[%mul3A_6, %dma_start3A_18] : memref<10240x128xf32, #tpu.memory_space<hbm>> -> memref<640x16xf32, #tpu.memory_space<hbm>>
      tpu.enqueue_dma source(%dma_start3A_19 : memref<640x16xf32, #tpu.memory_space<hbm>>) target(%arg12 : memref<640x16xf32, #tpu.memory_space<vmem>>) target_semaphore(%run_scoped3A : memref<!tpu.dma_semaphore, #tpu.memory_space<semaphore_mem>>)
      %dma_wait3A = arith.constant 0 : i32
      %dma_wait3A_20 = tpu.memref_slice %arg5[%mul3A_6, %dma_wait3A] : memref<10240x128xf32, #tpu.memory_space<hbm>> -> memref<640x16xf32, #tpu.memory_space<hbm>>
      %dma_wait3A_21 = arith.constant 0 : i32
      %dma_wait3A_22 = tpu.memref_slice %arg5[%mul3A_6, %dma_wait3A_21] : memref<10240x128xf32, #tpu.memory_space<hbm>> -> memref<640x16xf32, #tpu.memory_space<hbm>>
      tpu.wait_dma2 semaphore(%run_scoped3A : memref<!tpu.dma_semaphore, #tpu.memory_space<semaphore_mem>>) src(%dma_wait3A_22 : memref<640x16xf32, #tpu.memory_space<hbm>>) dst(%arg12 : memref<640x16xf32, #tpu.memory_space<vmem>>)
      tpu.yield
    }) : () -> ()
    "tpu.region"() ({
      %run_scoped3A = tpu.sem_alloc : memref<!tpu.dma_semaphore, #tpu.memory_space<semaphore_mem>>
      %dma_start3A = arith.constant 0 : i32
      %dma_start3A_17 = tpu.memref_slice %arg6[%arg0, %dma_start3A] : memref<2x64xf32, #tpu.memory_space<hbm>> -> memref<1x64xf32, #tpu.memory_space<hbm>>
      %dma_start3A_18 = tpu.memref_squeeze %dma_start3A_17 : memref<1x64xf32, #tpu.memory_space<hbm>> -> memref<64xf32, #tpu.memory_space<hbm>>
      %dma_start3A_19 = arith.constant 0 : i32
      %dma_start3A_20 = tpu.memref_slice %arg6[%arg0, %dma_start3A_19] : memref<2x64xf32, #tpu.memory_space<hbm>> -> memref<1x64xf32, #tpu.memory_space<hbm>>
      %dma_start3A_21 = tpu.memref_squeeze %dma_start3A_20 : memref<1x64xf32, #tpu.memory_space<hbm>> -> memref<64xf32, #tpu.memory_space<hbm>>
      tpu.enqueue_dma source(%dma_start3A_21 : memref<64xf32, #tpu.memory_space<hbm>>) target(%arg13 : memref<64xf32, #tpu.memory_space<vmem>>) target_semaphore(%run_scoped3A : memref<!tpu.dma_semaphore, #tpu.memory_space<semaphore_mem>>)
      %dma_wait3A = arith.constant 0 : i32
      %dma_wait3A_22 = tpu.memref_slice %arg6[%arg0, %dma_wait3A] : memref<2x64xf32, #tpu.memory_space<hbm>> -> memref<1x64xf32, #tpu.memory_space<hbm>>
      %dma_wait3A_23 = tpu.memref_squeeze %dma_wait3A_22 : memref<1x64xf32, #tpu.memory_space<hbm>> -> memref<64xf32, #tpu.memory_space<hbm>>
      %dma_wait3A_24 = arith.constant 0 : i32
      %dma_wait3A_25 = tpu.memref_slice %arg6[%arg0, %dma_wait3A_24] : memref<2x64xf32, #tpu.memory_space<hbm>> -> memref<1x64xf32, #tpu.memory_space<hbm>>
      %dma_wait3A_26 = tpu.memref_squeeze %dma_wait3A_25 : memref<1x64xf32, #tpu.memory_space<hbm>> -> memref<64xf32, #tpu.memory_space<hbm>>
      tpu.wait_dma2 semaphore(%run_scoped3A : memref<!tpu.dma_semaphore, #tpu.memory_space<semaphore_mem>>) src(%dma_wait3A_26 : memref<64xf32, #tpu.memory_space<hbm>>) dst(%arg13 : memref<64xf32, #tpu.memory_space<vmem>>)
      tpu.yield
    }) : () -> ()
    %barrier3A = arith.constant 0 : index
    tpu.barrier barrier_id(%barrier3A)
    %scan3A = arith.constant 0 : i32
    %scan3A_7 = arith.constant 80 : i32
    %scan3A_8 = arith.addi %scan3A, %scan3A_7 : i32
    %scan3A_9 = arith.constant 1 : i32
    scf.for %scan3A_17 = %scan3A to %scan3A_8 step %scan3A_9  : i32 {
      %mul3A_18 = arith.constant 1 : i32
      %mul3A_19 = arith.muli %scan3A_17, %mul3A_18 : i32
      %add3A_20 = arith.constant 0 : i32
      %add3A_21 = arith.addi %add3A_20, %mul3A_19 : i32
      %dma_start3A = arith.constant 0 : i32
      %dma_start3A_22 = tpu.memref_slice %arg8[%add3A_21, %dma_start3A] : memref<80x128xi32, #tpu.memory_space<vmem>> -> memref<1x128xi32, #tpu.memory_space<vmem>>
      %dma_start3A_23 = tpu.memref_squeeze %dma_start3A_22 : memref<1x128xi32, #tpu.memory_space<vmem>> -> memref<128xi32, #tpu.memory_space<vmem>>
      %dma_start3A_24 = arith.constant 0 : i32
      %dma_start3A_25 = arith.constant 0 : i32
      %dma_start3A_26 = tpu.memref_slice %arg4[%dma_start3A_24, %dma_start3A_25] : memref<20480x64xf32, #tpu.memory_space<hbm>> -> memref<20480x64xf32, #tpu.memory_space<hbm>>
      tpu.enqueue_indirect_dma source(%dma_start3A_26 : memref<20480x64xf32, #tpu.memory_space<hbm>>) target(%arg10 : memref<128x64xf32, #tpu.memory_space<vmem>>) offsets(%dma_start3A_23 : memref<128xi32, #tpu.memory_space<vmem>>) semaphore(%arg14 : memref<!tpu.dma_semaphore, #tpu.memory_space<semaphore_mem>>)
      %dma_wait3A = arith.constant 0 : i32
      %dma_wait3A_27 = tpu.memref_slice %arg8[%add3A_21, %dma_wait3A] : memref<80x128xi32, #tpu.memory_space<vmem>> -> memref<1x128xi32, #tpu.memory_space<vmem>>
      %dma_wait3A_28 = tpu.memref_squeeze %dma_wait3A_27 : memref<1x128xi32, #tpu.memory_space<vmem>> -> memref<128xi32, #tpu.memory_space<vmem>>
      %dma_wait3A_29 = arith.constant 0 : i32
      %dma_wait3A_30 = arith.constant 0 : i32
      %dma_wait3A_31 = tpu.memref_slice %arg4[%dma_wait3A_29, %dma_wait3A_30] : memref<20480x64xf32, #tpu.memory_space<hbm>> -> memref<20480x64xf32, #tpu.memory_space<hbm>>
      tpu.wait_indirect_dma semaphore(%arg14 : memref<!tpu.dma_semaphore, #tpu.memory_space<semaphore_mem>>) src(%dma_wait3A_31 : memref<20480x64xf32, #tpu.memory_space<hbm>>) dst(%arg10 : memref<128x64xf32, #tpu.memory_space<vmem>>)
      "tpu.region"() ({
        %run_scoped3A = tpu.sem_alloc : memref<!tpu.dma_semaphore, #tpu.memory_space<semaphore_mem>>
        %dma_start3A_32 = arith.constant 0 : i32
        %dma_start3A_33 = tpu.memref_slice %arg9[%add3A_21, %dma_start3A_32] : memref<80x128xi32, #tpu.memory_space<vmem>> -> memref<1x128xi32, #tpu.memory_space<vmem>>
        %dma_start3A_34 = tpu.memref_squeeze %dma_start3A_33 : memref<1x128xi32, #tpu.memory_space<vmem>> -> memref<128xi32, #tpu.memory_space<vmem>>
        %dma_start3A_35 = arith.constant 0 : i32
        %dma_start3A_36 = arith.constant 0 : i32
        %dma_start3A_37 = tpu.memref_slice %arg15[%dma_start3A_35, %dma_start3A_36] : memref<10240x64xf32, #tpu.memory_space<vmem_shared>> -> memref<10240x64xf32, #tpu.memory_space<vmem_shared>>
        tpu.enqueue_indirect_dma source(%arg10 : memref<128x64xf32, #tpu.memory_space<vmem>>) target(%dma_start3A_37 : memref<10240x64xf32, #tpu.memory_space<vmem_shared>>) offsets(%dma_start3A_34 : memref<128xi32, #tpu.memory_space<vmem>>) semaphore(%run_scoped3A : memref<!tpu.dma_semaphore, #tpu.memory_space<semaphore_mem>>) {add = true}
        %dma_wait3A_38 = arith.constant 0 : i32
        %dma_wait3A_39 = tpu.memref_slice %arg9[%add3A_21, %dma_wait3A_38] : memref<80x128xi32, #tpu.memory_space<vmem>> -> memref<1x128xi32, #tpu.memory_space<vmem>>
        %dma_wait3A_40 = tpu.memref_squeeze %dma_wait3A_39 : memref<1x128xi32, #tpu.memory_space<vmem>> -> memref<128xi32, #tpu.memory_space<vmem>>
        %dma_wait3A_41 = arith.constant 0 : i32
        %dma_wait3A_42 = arith.constant 0 : i32
        %dma_wait3A_43 = tpu.memref_slice %arg15[%dma_wait3A_41, %dma_wait3A_42] : memref<10240x64xf32, #tpu.memory_space<vmem_shared>> -> memref<10240x64xf32, #tpu.memory_space<vmem_shared>>
        tpu.wait_indirect_dma semaphore(%run_scoped3A : memref<!tpu.dma_semaphore, #tpu.memory_space<semaphore_mem>>) src(%arg10 : memref<128x64xf32, #tpu.memory_space<vmem>>) dst(%dma_wait3A_43 : memref<10240x64xf32, #tpu.memory_space<vmem_shared>>)
        tpu.yield
      }) : () -> ()
    }
    %scan3A_10 = arith.constant 80 : i32
    %barrier3A_11 = arith.constant 0 : index
    tpu.barrier barrier_id(%barrier3A_11)
    %scan3A_12 = arith.constant 0 : i32
    %scan3A_13 = arith.constant 10 : i32
    %scan3A_14 = arith.addi %scan3A_12, %scan3A_13 : i32
    %scan3A_15 = arith.constant 1 : i32
    scf.for %scan3A_17 = %scan3A_12 to %scan3A_14 step %scan3A_15  : i32 {
      %mul3A_18 = arith.constant 1 : i32
      %mul3A_19 = arith.muli %scan3A_17, %mul3A_18 : i32
      %add3A_20 = arith.constant 0 : i32
      %add3A_21 = arith.addi %add3A_20, %mul3A_19 : i32
      %mul3A_22 = arith.constant 640 : i32
      %mul3A_23 = arith.muli %arg1, %mul3A_22 : i32
      %mul3A_24 = arith.constant 64 : i32
      %mul3A_25 = arith.muli %add3A_21, %mul3A_24 : i32
      %add3A_26 = arith.addi %mul3A_23, %mul3A_25 : i32
      "tpu.region"() ({
        %run_scoped3A = tpu.sem_alloc : memref<!tpu.dma_semaphore, #tpu.memory_space<semaphore_mem>>
        %dma_start3A = arith.constant 0 : i32
        %dma_start3A_32 = tpu.memref_slice %arg15[%add3A_26, %dma_start3A] : memref<10240x64xf32, #tpu.memory_space<vmem_shared>> -> memref<64x64xf32, #tpu.memory_space<vmem_shared>>
        %dma_start3A_33 = arith.constant 0 : i32
        %dma_start3A_34 = tpu.memref_slice %arg15[%add3A_26, %dma_start3A_33] : memref<10240x64xf32, #tpu.memory_space<vmem_shared>> -> memref<64x64xf32, #tpu.memory_space<vmem_shared>>
        tpu.enqueue_dma source(%dma_start3A_34 : memref<64x64xf32, #tpu.memory_space<vmem_shared>>) target(%arg11 : memref<64x64xf32, #tpu.memory_space<vmem>>) target_semaphore(%run_scoped3A : memref<!tpu.dma_semaphore, #tpu.memory_space<semaphore_mem>>)
        %dma_wait3A = arith.constant 0 : i32
        %dma_wait3A_35 = tpu.memref_slice %arg15[%add3A_26, %dma_wait3A] : memref<10240x64xf32, #tpu.memory_space<vmem_shared>> -> memref<64x64xf32, #tpu.memory_space<vmem_shared>>
        %dma_wait3A_36 = arith.constant 0 : i32
        %dma_wait3A_37 = tpu.memref_slice %arg15[%add3A_26, %dma_wait3A_36] : memref<10240x64xf32, #tpu.memory_space<vmem_shared>> -> memref<64x64xf32, #tpu.memory_space<vmem_shared>>
        tpu.wait_dma2 semaphore(%run_scoped3A : memref<!tpu.dma_semaphore, #tpu.memory_space<semaphore_mem>>) src(%dma_wait3A_37 : memref<64x64xf32, #tpu.memory_space<vmem_shared>>) dst(%arg11 : memref<64x64xf32, #tpu.memory_space<vmem>>)
        tpu.yield
      }) : () -> ()
      %scan3A_27 = arith.constant 0 : i32
      %scan3A_28 = arith.constant 64 : i32
      %scan3A_29 = arith.addi %scan3A_27, %scan3A_28 : i32
      %scan3A_30 = arith.constant 1 : i32
      scf.for %scan3A_32 = %scan3A_27 to %scan3A_29 step %scan3A_30  : i32 {
        %mul3A_33 = arith.constant 1 : i32
        %mul3A_34 = arith.muli %scan3A_32, %mul3A_33 : i32
        %add3A_35 = arith.constant 0 : i32
        %add3A_36 = arith.addi %add3A_35, %mul3A_34 : i32
        %mul3A_37 = arith.constant 64 : i32
        %mul3A_38 = arith.muli %add3A_21, %mul3A_37 : i32
        %add3A_39 = arith.addi %mul3A_38, %add3A_36 : i32
        %get3A = arith.index_cast %add3A_39 : i32 to index
        %get3A_40 = arith.constant 0 : index
        %get3A_41 = tpu.vector_load %arg12[%get3A, %get3A_40] {strides = array<i32>} : memref<640x16xf32, #tpu.memory_space<vmem>>, vector<1x16xf32>,
        %get3A_42 = vector.shape_cast %get3A_41 : vector<1x16xf32> to vector<16xf32>
        %get3A_43 = arith.index_cast %add3A_36 : i32 to index
        %get3A_44 = arith.constant 0 : index
        %get3A_45 = tpu.vector_load %arg11[%get3A_43, %get3A_44] {strides = array<i32>} : memref<64x64xf32, #tpu.memory_space<vmem>>, vector<1x16xf32>,
        %get3A_46 = vector.shape_cast %get3A_45 : vector<1x16xf32> to vector<16xf32>
        %mul3A_47 = arith.mulf %get3A_46, %get3A_42 : vector<16xf32>
        %get3A_48 = arith.constant 0 : index
        %get3A_49 = tpu.vector_load %arg13[%get3A_48] {strides = array<i32>} : memref<64xf32, #tpu.memory_space<vmem>>, vector<16xf32>,
        %get3A_50 = vector.shape_cast %get3A_49 : vector<16xf32> to vector<16xf32>
        %add3A_51 = arith.addf %mul3A_47, %get3A_50 : vector<16xf32>
        %swap3A = arith.index_cast %add3A_36 : i32 to index
        %swap3A_52 = arith.constant 0 : index
        %swap3A_53 = tpu.vector_load %arg11[%swap3A, %swap3A_52] {strides = array<i32>} : memref<64x64xf32, #tpu.memory_space<vmem>>, vector<1x16xf32>,
        %swap3A_54 = vector.shape_cast %swap3A_53 : vector<1x16xf32> to vector<16xf32>
        %swap3A_55 = vector.shape_cast %add3A_51 : vector<16xf32> to vector<1x16xf32>
        tpu.vector_store %arg11[%swap3A, %swap3A_52], %swap3A_55 {strides = array<i32>} : memref<64x64xf32, #tpu.memory_space<vmem>>, vector<1x16xf32>,
        %get3A_56 = arith.index_cast %add3A_36 : i32 to index
        %get3A_57 = arith.constant 16 : index
        %get3A_58 = tpu.vector_load %arg11[%get3A_56, %get3A_57] {strides = array<i32>} : memref<64x64xf32, #tpu.memory_space<vmem>>, vector<1x16xf32>,
        %get3A_59 = vector.shape_cast %get3A_58 : vector<1x16xf32> to vector<16xf32>
        %mul3A_60 = arith.mulf %get3A_59, %get3A_42 : vector<16xf32>
        %get3A_61 = arith.constant 16 : index
        %get3A_62 = tpu.vector_load %arg13[%get3A_61] {strides = array<i32>} : memref<64xf32, #tpu.memory_space<vmem>>, vector<16xf32>,
        %get3A_63 = vector.shape_cast %get3A_62 : vector<16xf32> to vector<16xf32>
        %add3A_64 = arith.addf %mul3A_60, %get3A_63 : vector<16xf32>
        %swap3A_65 = arith.index_cast %add3A_36 : i32 to index
        %swap3A_66 = arith.constant 16 : index
        %swap3A_67 = tpu.vector_load %arg11[%swap3A_65, %swap3A_66] {strides = array<i32>} : memref<64x64xf32, #tpu.memory_space<vmem>>, vector<1x16xf32>,
        %swap3A_68 = vector.shape_cast %swap3A_67 : vector<1x16xf32> to vector<16xf32>
        %swap3A_69 = vector.shape_cast %add3A_64 : vector<16xf32> to vector<1x16xf32>
        tpu.vector_store %arg11[%swap3A_65, %swap3A_66], %swap3A_69 {strides = array<i32>} : memref<64x64xf32, #tpu.memory_space<vmem>>, vector<1x16xf32>,
        %get3A_70 = arith.index_cast %add3A_36 : i32 to index
        %get3A_71 = arith.constant 32 : index
        %get3A_72 = tpu.vector_load %arg11[%get3A_70, %get3A_71] {strides = array<i32>} : memref<64x64xf32, #tpu.memory_space<vmem>>, vector<1x16xf32>,
        %get3A_73 = vector.shape_cast %get3A_72 : vector<1x16xf32> to vector<16xf32>
        %mul3A_74 = arith.mulf %get3A_73, %get3A_42 : vector<16xf32>
        %get3A_75 = arith.constant 32 : index
        %get3A_76 = tpu.vector_load %arg13[%get3A_75] {strides = array<i32>} : memref<64xf32, #tpu.memory_space<vmem>>, vector<16xf32>,
        %get3A_77 = vector.shape_cast %get3A_76 : vector<16xf32> to vector<16xf32>
        %add3A_78 = arith.addf %mul3A_74, %get3A_77 : vector<16xf32>
        %swap3A_79 = arith.index_cast %add3A_36 : i32 to index
        %swap3A_80 = arith.constant 32 : index
        %swap3A_81 = tpu.vector_load %arg11[%swap3A_79, %swap3A_80] {strides = array<i32>} : memref<64x64xf32, #tpu.memory_space<vmem>>, vector<1x16xf32>,
        %swap3A_82 = vector.shape_cast %swap3A_81 : vector<1x16xf32> to vector<16xf32>
        %swap3A_83 = vector.shape_cast %add3A_78 : vector<16xf32> to vector<1x16xf32>
        tpu.vector_store %arg11[%swap3A_79, %swap3A_80], %swap3A_83 {strides = array<i32>} : memref<64x64xf32, #tpu.memory_space<vmem>>, vector<1x16xf32>,
        %get3A_84 = arith.index_cast %add3A_36 : i32 to index
        %get3A_85 = arith.constant 48 : index
        %get3A_86 = tpu.vector_load %arg11[%get3A_84, %get3A_85] {strides = array<i32>} : memref<64x64xf32, #tpu.memory_space<vmem>>, vector<1x16xf32>,
        %get3A_87 = vector.shape_cast %get3A_86 : vector<1x16xf32> to vector<16xf32>
        %mul3A_88 = arith.mulf %get3A_87, %get3A_42 : vector<16xf32>
        %get3A_89 = arith.constant 48 : index
        %get3A_90 = tpu.vector_load %arg13[%get3A_89] {strides = array<i32>} : memref<64xf32, #tpu.memory_space<vmem>>, vector<16xf32>,
        %get3A_91 = vector.shape_cast %get3A_90 : vector<16xf32> to vector<16xf32>
        %add3A_92 = arith.addf %mul3A_88, %get3A_91 : vector<16xf32>
        %swap3A_93 = arith.index_cast %add3A_36 : i32 to index
        %swap3A_94 = arith.constant 48 : index
        %swap3A_95 = tpu.vector_load %arg11[%swap3A_93, %swap3A_94] {strides = array<i32>} : memref<64x64xf32, #tpu.memory_space<vmem>>, vector<1x16xf32>,
        %swap3A_96 = vector.shape_cast %swap3A_95 : vector<1x16xf32> to vector<16xf32>
        %swap3A_97 = vector.shape_cast %add3A_92 : vector<16xf32> to vector<1x16xf32>
        tpu.vector_store %arg11[%swap3A_93, %swap3A_94], %swap3A_97 {strides = array<i32>} : memref<64x64xf32, #tpu.memory_space<vmem>>, vector<1x16xf32>,
      }
      %scan3A_31 = arith.constant 64 : i32
      "tpu.region"() ({
        %run_scoped3A = tpu.sem_alloc : memref<!tpu.dma_semaphore, #tpu.memory_space<semaphore_mem>>
        %dma_start3A = arith.constant 0 : i32
        %dma_start3A_32 = tpu.memref_slice %arg7[%arg0, %add3A_26, %dma_start3A] : memref<2x10240x64xf32, #tpu.memory_space<hbm>> -> memref<1x64x64xf32, #tpu.memory_space<hbm>>
        %dma_start3A_33 = tpu.memref_squeeze %dma_start3A_32 : memref<1x64x64xf32, #tpu.memory_space<hbm>> -> memref<64x64xf32, #tpu.memory_space<hbm>>
        %dma_start3A_34 = arith.constant 0 : i32
        %dma_start3A_35 = tpu.memref_slice %arg7[%arg0, %add3A_26, %dma_start3A_34] : memref<2x10240x64xf32, #tpu.memory_space<hbm>> -> memref<1x64x64xf32, #tpu.memory_space<hbm>>
        %dma_start3A_36 = tpu.memref_squeeze %dma_start3A_35 : memref<1x64x64xf32, #tpu.memory_space<hbm>> -> memref<64x64xf32, #tpu.memory_space<hbm>>
        tpu.enqueue_dma source(%arg11 : memref<64x64xf32, #tpu.memory_space<vmem>>) target(%dma_start3A_36 : memref<64x64xf32, #tpu.memory_space<hbm>>) target_semaphore(%run_scoped3A : memref<!tpu.dma_semaphore, #tpu.memory_space<semaphore_mem>>)
        %dma_wait3A = arith.constant 0 : i32
        %dma_wait3A_37 = tpu.memref_slice %arg7[%arg0, %add3A_26, %dma_wait3A] : memref<2x10240x64xf32, #tpu.memory_space<hbm>> -> memref<1x64x64xf32, #tpu.memory_space<hbm>>
        %dma_wait3A_38 = tpu.memref_squeeze %dma_wait3A_37 : memref<1x64x64xf32, #tpu.memory_space<hbm>> -> memref<64x64xf32, #tpu.memory_space<hbm>>
        %dma_wait3A_39 = arith.constant 0 : i32
        %dma_wait3A_40 = tpu.memref_slice %arg7[%arg0, %add3A_26, %dma_wait3A_39] : memref<2x10240x64xf32, #tpu.memory_space<hbm>> -> memref<1x64x64xf32, #tpu.memory_space<hbm>>
        %dma_wait3A_41 = tpu.memref_squeeze %dma_wait3A_40 : memref<1x64x64xf32, #tpu.memory_space<hbm>> -> memref<64x64xf32, #tpu.memory_space<hbm>>
        tpu.wait_dma2 semaphore(%run_scoped3A : memref<!tpu.dma_semaphore, #tpu.memory_space<semaphore_mem>>) src(%arg11 : memref<64x64xf32, #tpu.memory_space<vmem>>) dst(%dma_wait3A_41 : memref<64x64xf32, #tpu.memory_space<hbm>>)
        tpu.yield
      }) : () -> ()
    }
    %scan3A_16 = arith.constant 10 : i32
    return
  }
}

#map = affine_map<(d0, d1) -> (0, 0, 0, 0)>
#map1 = affine_map<(d0, d1) -> (0, 0)>
#map2 = affine_map<(d0, d1) -> (0, 0, 0)>
module attributes {stable_mosaic.version = 14 : i64} {
  func.func @spmm(%arg0: i32, %arg1: i32, %arg2: memref<2x16x80x128xi32, #tpu.memory_space<hbm>>, %arg3: memref<2x16x80x128xi32, #tpu.memory_space<hbm>>, %arg4: memref<20480x128xf32, #tpu.memory_space<hbm>>, %arg5: memref<640x128xf32, #tpu.memory_space<hbm>>, %arg6: memref<2x10240x128xf32, #tpu.memory_space<hbm>>, %arg7: memref<80x128xi32, #tpu.memory_space<vmem>>, %arg8: memref<80x128xi32, #tpu.memory_space<vmem>>, %arg9: memref<128x128xf32, #tpu.memory_space<vmem>>, %arg10: memref<!tpu.dma_semaphore, #tpu.memory_space<semaphore_mem>>, %arg11: memref<10240x128xf32, #tpu.memory_space<vmem_shared>>) attributes {dimension_semantics = [#tpu.dimension_semantics<core_parallel>, #tpu.dimension_semantics<subcore_parallel>], iteration_bounds = array<i64: 2, 16>, scalar_prefetch = 0 : i64, scratch_operands = 5 : i64, tpu.core_type = #tpu.core_type<sc_vector_subcore>, window_params = [{transform_indices = #map}, {transform_indices = #map}, {transform_indices = #map1}, {transform_indices = #map1}, {transform_indices = #map2}]} {
    "tpu.region"() ({
      %run_scoped3A = tpu.sem_alloc : memref<!tpu.dma_semaphore, #tpu.memory_space<semaphore_mem>>
      %dma_start3A = arith.constant 0 : i32
      %dma_start3A_10 = arith.constant 0 : i32
      %dma_start3A_11 = tpu.memref_slice %arg2[%arg0, %arg1, %dma_start3A, %dma_start3A_10] : memref<2x16x80x128xi32, #tpu.memory_space<hbm>> -> memref<1x1x80x128xi32, #tpu.memory_space<hbm>>
      %dma_start3A_12 = tpu.memref_squeeze %dma_start3A_11 : memref<1x1x80x128xi32, #tpu.memory_space<hbm>> -> memref<80x128xi32, #tpu.memory_space<hbm>>
      %dma_start3A_13 = arith.constant 0 : i32
      %dma_start3A_14 = arith.constant 0 : i32
      %dma_start3A_15 = tpu.memref_slice %arg2[%arg0, %arg1, %dma_start3A_13, %dma_start3A_14] : memref<2x16x80x128xi32, #tpu.memory_space<hbm>> -> memref<1x1x80x128xi32, #tpu.memory_space<hbm>>
      %dma_start3A_16 = tpu.memref_squeeze %dma_start3A_15 : memref<1x1x80x128xi32, #tpu.memory_space<hbm>> -> memref<80x128xi32, #tpu.memory_space<hbm>>
      tpu.enqueue_dma source(%dma_start3A_16 : memref<80x128xi32, #tpu.memory_space<hbm>>) target(%arg7 : memref<80x128xi32, #tpu.memory_space<vmem>>) target_semaphore(%run_scoped3A : memref<!tpu.dma_semaphore, #tpu.memory_space<semaphore_mem>>)
      %dma_wait3A = arith.constant 0 : i32
      %dma_wait3A_17 = arith.constant 0 : i32
      %dma_wait3A_18 = tpu.memref_slice %arg2[%arg0, %arg1, %dma_wait3A, %dma_wait3A_17] : memref<2x16x80x128xi32, #tpu.memory_space<hbm>> -> memref<1x1x80x128xi32, #tpu.memory_space<hbm>>
      %dma_wait3A_19 = tpu.memref_squeeze %dma_wait3A_18 : memref<1x1x80x128xi32, #tpu.memory_space<hbm>> -> memref<80x128xi32, #tpu.memory_space<hbm>>
      %dma_wait3A_20 = arith.constant 0 : i32
      %dma_wait3A_21 = arith.constant 0 : i32
      %dma_wait3A_22 = tpu.memref_slice %arg2[%arg0, %arg1, %dma_wait3A_20, %dma_wait3A_21] : memref<2x16x80x128xi32, #tpu.memory_space<hbm>> -> memref<1x1x80x128xi32, #tpu.memory_space<hbm>>
      %dma_wait3A_23 = tpu.memref_squeeze %dma_wait3A_22 : memref<1x1x80x128xi32, #tpu.memory_space<hbm>> -> memref<80x128xi32, #tpu.memory_space<hbm>>
      tpu.wait_dma2 semaphore(%run_scoped3A : memref<!tpu.dma_semaphore, #tpu.memory_space<semaphore_mem>>) src(%dma_wait3A_23 : memref<80x128xi32, #tpu.memory_space<hbm>>) dst(%arg7 : memref<80x128xi32, #tpu.memory_space<vmem>>)
      tpu.yield
    }) : () -> ()
    "tpu.region"() ({
      %run_scoped3A = tpu.sem_alloc : memref<!tpu.dma_semaphore, #tpu.memory_space<semaphore_mem>>
      %dma_start3A = arith.constant 0 : i32
      %dma_start3A_10 = arith.constant 0 : i32
      %dma_start3A_11 = tpu.memref_slice %arg3[%arg0, %arg1, %dma_start3A, %dma_start3A_10] : memref<2x16x80x128xi32, #tpu.memory_space<hbm>> -> memref<1x1x80x128xi32, #tpu.memory_space<hbm>>
      %dma_start3A_12 = tpu.memref_squeeze %dma_start3A_11 : memref<1x1x80x128xi32, #tpu.memory_space<hbm>> -> memref<80x128xi32, #tpu.memory_space<hbm>>
      %dma_start3A_13 = arith.constant 0 : i32
      %dma_start3A_14 = arith.constant 0 : i32
      %dma_start3A_15 = tpu.memref_slice %arg3[%arg0, %arg1, %dma_start3A_13, %dma_start3A_14] : memref<2x16x80x128xi32, #tpu.memory_space<hbm>> -> memref<1x1x80x128xi32, #tpu.memory_space<hbm>>
      %dma_start3A_16 = tpu.memref_squeeze %dma_start3A_15 : memref<1x1x80x128xi32, #tpu.memory_space<hbm>> -> memref<80x128xi32, #tpu.memory_space<hbm>>
      tpu.enqueue_dma source(%dma_start3A_16 : memref<80x128xi32, #tpu.memory_space<hbm>>) target(%arg8 : memref<80x128xi32, #tpu.memory_space<vmem>>) target_semaphore(%run_scoped3A : memref<!tpu.dma_semaphore, #tpu.memory_space<semaphore_mem>>)
      %dma_wait3A = arith.constant 0 : i32
      %dma_wait3A_17 = arith.constant 0 : i32
      %dma_wait3A_18 = tpu.memref_slice %arg3[%arg0, %arg1, %dma_wait3A, %dma_wait3A_17] : memref<2x16x80x128xi32, #tpu.memory_space<hbm>> -> memref<1x1x80x128xi32, #tpu.memory_space<hbm>>
      %dma_wait3A_19 = tpu.memref_squeeze %dma_wait3A_18 : memref<1x1x80x128xi32, #tpu.memory_space<hbm>> -> memref<80x128xi32, #tpu.memory_space<hbm>>
      %dma_wait3A_20 = arith.constant 0 : i32
      %dma_wait3A_21 = arith.constant 0 : i32
      %dma_wait3A_22 = tpu.memref_slice %arg3[%arg0, %arg1, %dma_wait3A_20, %dma_wait3A_21] : memref<2x16x80x128xi32, #tpu.memory_space<hbm>> -> memref<1x1x80x128xi32, #tpu.memory_space<hbm>>
      %dma_wait3A_23 = tpu.memref_squeeze %dma_wait3A_22 : memref<1x1x80x128xi32, #tpu.memory_space<hbm>> -> memref<80x128xi32, #tpu.memory_space<hbm>>
      tpu.wait_dma2 semaphore(%run_scoped3A : memref<!tpu.dma_semaphore, #tpu.memory_space<semaphore_mem>>) src(%dma_wait3A_23 : memref<80x128xi32, #tpu.memory_space<hbm>>) dst(%arg8 : memref<80x128xi32, #tpu.memory_space<vmem>>)
      tpu.yield
    }) : () -> ()
    %mul3A = arith.constant 640 : i32
    %mul3A_0 = arith.muli %arg1, %mul3A : i32
    "tpu.region"() ({
      %run_scoped3A = tpu.sem_alloc : memref<!tpu.dma_semaphore, #tpu.memory_space<semaphore_mem>>
      %dma_start3A = arith.constant 0 : i32
      %dma_start3A_10 = tpu.memref_slice %arg11[%mul3A_0, %dma_start3A] : memref<10240x128xf32, #tpu.memory_space<vmem_shared>> -> memref<640x128xf32, #tpu.memory_space<vmem_shared>>
      tpu.enqueue_dma source(%arg5 : memref<640x128xf32, #tpu.memory_space<hbm>>) target(%dma_start3A_10 : memref<640x128xf32, #tpu.memory_space<vmem_shared>>) target_semaphore(%run_scoped3A : memref<!tpu.dma_semaphore, #tpu.memory_space<semaphore_mem>>)
      %dma_wait3A = arith.constant 0 : i32
      %dma_wait3A_11 = tpu.memref_slice %arg11[%mul3A_0, %dma_wait3A] : memref<10240x128xf32, #tpu.memory_space<vmem_shared>> -> memref<640x128xf32, #tpu.memory_space<vmem_shared>>
      tpu.wait_dma2 semaphore(%run_scoped3A : memref<!tpu.dma_semaphore, #tpu.memory_space<semaphore_mem>>) src(%arg5 : memref<640x128xf32, #tpu.memory_space<hbm>>) dst(%dma_wait3A_11 : memref<640x128xf32, #tpu.memory_space<vmem_shared>>)
      tpu.yield
    }) : () -> ()
    %barrier3A = arith.constant 0 : index
    tpu.barrier barrier_id(%barrier3A)
    %scan3A = arith.constant 0 : i32
    %scan3A_1 = arith.constant 80 : i32
    %scan3A_2 = arith.addi %scan3A, %scan3A_1 : i32
    %scan3A_3 = arith.constant 1 : i32
    scf.for %scan3A_10 = %scan3A to %scan3A_2 step %scan3A_3  : i32 {
      %mul3A_11 = arith.constant 1 : i32
      %mul3A_12 = arith.muli %scan3A_10, %mul3A_11 : i32
      %add3A = arith.constant 0 : i32
      %add3A_13 = arith.addi %add3A, %mul3A_12 : i32
      %dma_start3A = arith.constant 0 : i32
      %dma_start3A_14 = tpu.memref_slice %arg7[%add3A_13, %dma_start3A] : memref<80x128xi32, #tpu.memory_space<vmem>> -> memref<1x128xi32, #tpu.memory_space<vmem>>
      %dma_start3A_15 = tpu.memref_squeeze %dma_start3A_14 : memref<1x128xi32, #tpu.memory_space<vmem>> -> memref<128xi32, #tpu.memory_space<vmem>>
      %dma_start3A_16 = arith.constant 0 : i32
      %dma_start3A_17 = arith.constant 0 : i32
      %dma_start3A_18 = tpu.memref_slice %arg4[%dma_start3A_16, %dma_start3A_17] : memref<20480x128xf32, #tpu.memory_space<hbm>> -> memref<20480x128xf32, #tpu.memory_space<hbm>>
      tpu.enqueue_indirect_dma source(%dma_start3A_18 : memref<20480x128xf32, #tpu.memory_space<hbm>>) target(%arg9 : memref<128x128xf32, #tpu.memory_space<vmem>>) offsets(%dma_start3A_15 : memref<128xi32, #tpu.memory_space<vmem>>) semaphore(%arg10 : memref<!tpu.dma_semaphore, #tpu.memory_space<semaphore_mem>>)
      %dma_wait3A = arith.constant 0 : i32
      %dma_wait3A_19 = tpu.memref_slice %arg7[%add3A_13, %dma_wait3A] : memref<80x128xi32, #tpu.memory_space<vmem>> -> memref<1x128xi32, #tpu.memory_space<vmem>>
      %dma_wait3A_20 = tpu.memref_squeeze %dma_wait3A_19 : memref<1x128xi32, #tpu.memory_space<vmem>> -> memref<128xi32, #tpu.memory_space<vmem>>
      %dma_wait3A_21 = arith.constant 0 : i32
      %dma_wait3A_22 = arith.constant 0 : i32
      %dma_wait3A_23 = tpu.memref_slice %arg4[%dma_wait3A_21, %dma_wait3A_22] : memref<20480x128xf32, #tpu.memory_space<hbm>> -> memref<20480x128xf32, #tpu.memory_space<hbm>>
      tpu.wait_indirect_dma semaphore(%arg10 : memref<!tpu.dma_semaphore, #tpu.memory_space<semaphore_mem>>) src(%dma_wait3A_23 : memref<20480x128xf32, #tpu.memory_space<hbm>>) dst(%arg9 : memref<128x128xf32, #tpu.memory_space<vmem>>)
      "tpu.region"() ({
        %run_scoped3A = tpu.sem_alloc : memref<!tpu.dma_semaphore, #tpu.memory_space<semaphore_mem>>
        %dma_start3A_24 = arith.constant 0 : i32
        %dma_start3A_25 = tpu.memref_slice %arg8[%add3A_13, %dma_start3A_24] : memref<80x128xi32, #tpu.memory_space<vmem>> -> memref<1x128xi32, #tpu.memory_space<vmem>>
        %dma_start3A_26 = tpu.memref_squeeze %dma_start3A_25 : memref<1x128xi32, #tpu.memory_space<vmem>> -> memref<128xi32, #tpu.memory_space<vmem>>
        %dma_start3A_27 = arith.constant 0 : i32
        %dma_start3A_28 = arith.constant 0 : i32
        %dma_start3A_29 = tpu.memref_slice %arg11[%dma_start3A_27, %dma_start3A_28] : memref<10240x128xf32, #tpu.memory_space<vmem_shared>> -> memref<10240x128xf32, #tpu.memory_space<vmem_shared>>
        tpu.enqueue_indirect_dma source(%arg9 : memref<128x128xf32, #tpu.memory_space<vmem>>) target(%dma_start3A_29 : memref<10240x128xf32, #tpu.memory_space<vmem_shared>>) offsets(%dma_start3A_26 : memref<128xi32, #tpu.memory_space<vmem>>) semaphore(%run_scoped3A : memref<!tpu.dma_semaphore, #tpu.memory_space<semaphore_mem>>) {add = true}
        %dma_wait3A_30 = arith.constant 0 : i32
        %dma_wait3A_31 = tpu.memref_slice %arg8[%add3A_13, %dma_wait3A_30] : memref<80x128xi32, #tpu.memory_space<vmem>> -> memref<1x128xi32, #tpu.memory_space<vmem>>
        %dma_wait3A_32 = tpu.memref_squeeze %dma_wait3A_31 : memref<1x128xi32, #tpu.memory_space<vmem>> -> memref<128xi32, #tpu.memory_space<vmem>>
        %dma_wait3A_33 = arith.constant 0 : i32
        %dma_wait3A_34 = arith.constant 0 : i32
        %dma_wait3A_35 = tpu.memref_slice %arg11[%dma_wait3A_33, %dma_wait3A_34] : memref<10240x128xf32, #tpu.memory_space<vmem_shared>> -> memref<10240x128xf32, #tpu.memory_space<vmem_shared>>
        tpu.wait_indirect_dma semaphore(%run_scoped3A : memref<!tpu.dma_semaphore, #tpu.memory_space<semaphore_mem>>) src(%arg9 : memref<128x128xf32, #tpu.memory_space<vmem>>) dst(%dma_wait3A_35 : memref<10240x128xf32, #tpu.memory_space<vmem_shared>>)
        tpu.yield
      }) : () -> ()
    }
    %scan3A_4 = arith.constant 80 : i32
    %barrier3A_5 = arith.constant 0 : index
    tpu.barrier barrier_id(%barrier3A_5)
    %mul3A_6 = arith.constant 640 : i32
    %mul3A_7 = arith.muli %arg1, %mul3A_6 : i32
    %mul3A_8 = arith.constant 640 : i32
    %mul3A_9 = arith.muli %arg1, %mul3A_8 : i32
    "tpu.region"() ({
      %run_scoped3A = tpu.sem_alloc : memref<!tpu.dma_semaphore, #tpu.memory_space<semaphore_mem>>
      %dma_start3A = arith.constant 0 : i32
      %dma_start3A_10 = tpu.memref_slice %arg6[%arg0, %mul3A_9, %dma_start3A] : memref<2x10240x128xf32, #tpu.memory_space<hbm>> -> memref<1x640x128xf32, #tpu.memory_space<hbm>>
      %dma_start3A_11 = tpu.memref_squeeze %dma_start3A_10 : memref<1x640x128xf32, #tpu.memory_space<hbm>> -> memref<640x128xf32, #tpu.memory_space<hbm>>
      %dma_start3A_12 = arith.constant 0 : i32
      %dma_start3A_13 = tpu.memref_slice %arg11[%mul3A_7, %dma_start3A_12] : memref<10240x128xf32, #tpu.memory_space<vmem_shared>> -> memref<640x128xf32, #tpu.memory_space<vmem_shared>>
      tpu.enqueue_dma source(%dma_start3A_13 : memref<640x128xf32, #tpu.memory_space<vmem_shared>>) target(%dma_start3A_11 : memref<640x128xf32, #tpu.memory_space<hbm>>) target_semaphore(%run_scoped3A : memref<!tpu.dma_semaphore, #tpu.memory_space<semaphore_mem>>)
      %dma_wait3A = arith.constant 0 : i32
      %dma_wait3A_14 = tpu.memref_slice %arg6[%arg0, %mul3A_9, %dma_wait3A] : memref<2x10240x128xf32, #tpu.memory_space<hbm>> -> memref<1x640x128xf32, #tpu.memory_space<hbm>>
      %dma_wait3A_15 = tpu.memref_squeeze %dma_wait3A_14 : memref<1x640x128xf32, #tpu.memory_space<hbm>> -> memref<640x128xf32, #tpu.memory_space<hbm>>
      %dma_wait3A_16 = arith.constant 0 : i32
      %dma_wait3A_17 = tpu.memref_slice %arg11[%mul3A_7, %dma_wait3A_16] : memref<10240x128xf32, #tpu.memory_space<vmem_shared>> -> memref<640x128xf32, #tpu.memory_space<vmem_shared>>
      tpu.wait_dma2 semaphore(%run_scoped3A : memref<!tpu.dma_semaphore, #tpu.memory_space<semaphore_mem>>) src(%dma_wait3A_17 : memref<640x128xf32, #tpu.memory_space<vmem_shared>>) dst(%dma_wait3A_15 : memref<640x128xf32, #tpu.memory_space<hbm>>)
      tpu.yield
    }) : () -> ()
    return
  }
}

module attributes {stable_mosaic.version = 14 : i64} {
  func.func @_mm1_body(%arg0: i32, %arg1: memref<128x256xf32, #tpu.memory_space<vmem>>, %arg2: memref<256x256xf32, #tpu.memory_space<vmem>>, %arg3: memref<128x1xf32, #tpu.memory_space<vmem>>, %arg4: memref<128x1xf32, #tpu.memory_space<vmem>>, %arg5: memref<128x128xf32, #tpu.memory_space<vmem>>, %arg6: memref<128x128xf32, #tpu.memory_space<vmem>>, %arg7: memref<128x128xf32, #tpu.memory_space<vmem>>) attributes {dimension_semantics = [#tpu.dimension_semantics<arbitrary>], iteration_bounds = array<i64: 80>, scalar_prefetch = 0 : i64, scratch_operands = 0 : i64, tpu.core_type = #tpu.core_type<tc>, window_params = [{transform_indices = @transform_0, window_bounds = array<i64: 128, 256>}, {pipeline_mode = #tpu.pipeline_mode<synchronous>, transform_indices = @transform_1, window_bounds = array<i64: 256, 256>}, {transform_indices = @transform_2, window_bounds = array<i64: 128, 1>}, {transform_indices = @transform_3, window_bounds = array<i64: 128, 1>}, {transform_indices = @transform_4, window_bounds = array<i64: 128, 128>}, {transform_indices = @transform_5, window_bounds = array<i64: 128, 128>}, {transform_indices = @transform_6, window_bounds = array<i64: 128, 128>}]} {
    %get3A = arith.constant 0 : index
    %get3A_0 = arith.constant 0 : index
    %get3A_1 = vector.load %arg3[%get3A, %get3A_0] : memref<128x1xf32, #tpu.memory_space<vmem>>, vector<128x1xf32>
    %get3A_2 = arith.constant 0 : index
    %get3A_3 = arith.constant 0 : index
    %get3A_4 = vector.load %arg4[%get3A_2, %get3A_3] : memref<128x1xf32, #tpu.memory_space<vmem>>, vector<128x1xf32>
    %add3A = arith.addf %get3A_1, %get3A_4 : vector<128x1xf32>
    %add3A_5 = arith.constant 1.000000e+00 : f32
    %add3A_6 = vector.broadcast %add3A_5 : f32 to vector<128x1xf32>
    %add3A_7 = arith.addf %add3A, %add3A_6 : vector<128x1xf32>
    %rsqrt3A = math.rsqrt %add3A_7 : vector<128x1xf32>
    %broadcast_in_dim3A = vector.shape_cast %rsqrt3A : vector<128x1xf32> to vector<128x1xf32>
    %broadcast_in_dim3A_8 = vector.broadcast %broadcast_in_dim3A : vector<128x1xf32> to vector<128x128xf32>
    %get3A_9 = arith.constant 0 : index
    %get3A_10 = arith.constant 0 : index
    %get3A_11 = vector.load %arg1[%get3A_9, %get3A_10] : memref<128x256xf32, #tpu.memory_space<vmem>>, vector<128x256xf32>
    %get3A_12 = arith.constant 0 : index
    %get3A_13 = arith.constant 0 : index
    %get3A_14 = vector.load %arg2[%get3A_12, %get3A_13] : memref<256x256xf32, #tpu.memory_space<vmem>>, vector<256x256xf32>
    %dot_general3A = arith.constant dense<0.000000e+00> : vector<128x256xf32>
    %dot_general3A_15 = tpu.matmul %get3A_11, %get3A_14, %dot_general3A {dimension_numbers = #tpu.dot_dimension_numbers<[1], [0], [0], [1], [0, 0, 1, 1], [], []>, transpose_lhs_hint = false} : vector<128x256xf32>, vector<256x256xf32>, vector<128x256xf32> -> vector<128x256xf32>
    %slice3A = vector.extract_strided_slice %dot_general3A_15 {offsets = [0, 0], sizes = [128, 128], strides = [1, 1]} : vector<128x256xf32> to vector<128x128xf32>
    %mul3A = arith.mulf %slice3A, %broadcast_in_dim3A_8 : vector<128x128xf32>
    %swap3A = arith.constant 0 : index
    %swap3A_16 = arith.constant 0 : index
    %swap3A_17 = vector.load %arg5[%swap3A, %swap3A_16] : memref<128x128xf32, #tpu.memory_space<vmem>>, vector<128x128xf32>
    tpu.vector_store %arg5[%swap3A, %swap3A_16], %mul3A {strides = array<i32>} : memref<128x128xf32, #tpu.memory_space<vmem>>, vector<128x128xf32>,
    %slice3A_18 = vector.extract_strided_slice %dot_general3A_15 {offsets = [0, 128], sizes = [128, 128], strides = [1, 1]} : vector<128x256xf32> to vector<128x128xf32>
    %mul3A_19 = arith.mulf %slice3A_18, %broadcast_in_dim3A_8 : vector<128x128xf32>
    %swap3A_20 = arith.constant 0 : index
    %swap3A_21 = arith.constant 0 : index
    %swap3A_22 = vector.load %arg6[%swap3A_20, %swap3A_21] : memref<128x128xf32, #tpu.memory_space<vmem>>, vector<128x128xf32>
    tpu.vector_store %arg6[%swap3A_20, %swap3A_21], %mul3A_19 {strides = array<i32>} : memref<128x128xf32, #tpu.memory_space<vmem>>, vector<128x128xf32>,
    %swap3A_23 = arith.constant 0 : index
    %swap3A_24 = arith.constant 0 : index
    %swap3A_25 = vector.load %arg7[%swap3A_23, %swap3A_24] : memref<128x128xf32, #tpu.memory_space<vmem>>, vector<128x128xf32>
    tpu.vector_store %arg7[%swap3A_23, %swap3A_24], %broadcast_in_dim3A_8 {strides = array<i32>} : memref<128x128xf32, #tpu.memory_space<vmem>>, vector<128x128xf32>,
    return
  }
  func.func @transform_0(%arg0: i32) -> (i32, i32) {
    %c0_i32 = arith.constant 0 : i32
    %c0_i32_0 = arith.constant 0 : i32
    return %arg0, %c0_i32 : i32, i32
  }
  func.func @transform_1(%arg0: i32) -> (i32, i32) {
    %c0_i32 = arith.constant 0 : i32
    %c0_i32_0 = arith.constant 0 : i32
    %c0_i32_1 = arith.constant 0 : i32
    return %c0_i32, %c0_i32_0 : i32, i32
  }
  func.func @transform_2(%arg0: i32) -> (i32, i32) {
    %c0_i32 = arith.constant 0 : i32
    %c0_i32_0 = arith.constant 0 : i32
    return %arg0, %c0_i32 : i32, i32
  }
  func.func @transform_3(%arg0: i32) -> (i32, i32) {
    %c0_i32 = arith.constant 0 : i32
    %c0_i32_0 = arith.constant 0 : i32
    return %arg0, %c0_i32 : i32, i32
  }
  func.func @transform_4(%arg0: i32) -> (i32, i32) {
    %c0_i32 = arith.constant 0 : i32
    %c0_i32_0 = arith.constant 0 : i32
    return %arg0, %c0_i32 : i32, i32
  }
  func.func @transform_5(%arg0: i32) -> (i32, i32) {
    %c0_i32 = arith.constant 0 : i32
    %c0_i32_0 = arith.constant 0 : i32
    return %arg0, %c0_i32 : i32, i32
  }
  func.func @transform_6(%arg0: i32) -> (i32, i32) {
    %c0_i32 = arith.constant 0 : i32
    %c0_i32_0 = arith.constant 0 : i32
    return %arg0, %c0_i32 : i32, i32
  }
}

module attributes {stable_mosaic.version = 14 : i64} {
  func.func @_mid_body(%arg0: i32, %arg1: memref<128x128xf32, #tpu.memory_space<vmem>>, %arg2: memref<128x128xf32, #tpu.memory_space<vmem>>, %arg3: memref<128x128xf32, #tpu.memory_space<vmem>>, %arg4: memref<128x128xf32, #tpu.memory_space<vmem>>, %arg5: memref<128x128xf32, #tpu.memory_space<vmem>>, %arg6: memref<1x128xf32, #tpu.memory_space<vmem>>, %arg7: memref<1x128xf32, #tpu.memory_space<vmem>>, %arg8: memref<256x128xf32, #tpu.memory_space<vmem>>, %arg9: memref<128x64xf32, #tpu.memory_space<vmem>>, %arg10: memref<128x64xf32, #tpu.memory_space<vmem>>) attributes {dimension_semantics = [#tpu.dimension_semantics<arbitrary>], iteration_bounds = array<i64: 80>, scalar_prefetch = 0 : i64, scratch_operands = 0 : i64, tpu.core_type = #tpu.core_type<tc>, window_params = [{transform_indices = @transform_0, window_bounds = array<i64: 128, 128>}, {transform_indices = @transform_1, window_bounds = array<i64: 128, 128>}, {transform_indices = @transform_2, window_bounds = array<i64: 128, 128>}, {transform_indices = @transform_3, window_bounds = array<i64: 128, 128>}, {transform_indices = @transform_4, window_bounds = array<i64: 128, 128>}, {pipeline_mode = #tpu.pipeline_mode<synchronous>, transform_indices = @transform_5, window_bounds = array<i64: 1, 128>}, {pipeline_mode = #tpu.pipeline_mode<synchronous>, transform_indices = @transform_6, window_bounds = array<i64: 1, 128>}, {pipeline_mode = #tpu.pipeline_mode<synchronous>, transform_indices = @transform_7, window_bounds = array<i64: 256, 128>}, {transform_indices = @transform_8, window_bounds = array<i64: 128, 64>}, {transform_indices = @transform_9, window_bounds = array<i64: 128, 64>}]} {
    %get3A = arith.constant 0 : index
    %get3A_0 = arith.constant 0 : index
    %get3A_1 = vector.load %arg5[%get3A, %get3A_0] : memref<128x128xf32, #tpu.memory_space<vmem>>, vector<128x128xf32>
    %get3A_2 = arith.constant 0 : index
    %get3A_3 = arith.constant 0 : index
    %get3A_4 = vector.load %arg1[%get3A_2, %get3A_3] : memref<128x128xf32, #tpu.memory_space<vmem>>, vector<128x128xf32>
    %get3A_5 = arith.constant 0 : index
    %get3A_6 = arith.constant 0 : index
    %get3A_7 = vector.load %arg3[%get3A_5, %get3A_6] : memref<128x128xf32, #tpu.memory_space<vmem>>, vector<128x128xf32>
    %add3A = arith.addf %get3A_4, %get3A_7 : vector<128x128xf32>
    %mul3A = arith.mulf %add3A, %get3A_1 : vector<128x128xf32>
    %get3A_8 = arith.constant 0 : index
    %get3A_9 = arith.constant 0 : index
    %get3A_10 = vector.load %arg6[%get3A_8, %get3A_9] : memref<1x128xf32, #tpu.memory_space<vmem>>, vector<1x128xf32>
    %add3A_11 = vector.broadcast %get3A_10 : vector<1x128xf32> to vector<128x128xf32>
    %add3A_12 = arith.addf %mul3A, %add3A_11 : vector<128x128xf32>
    %max3A = arith.constant 0.000000e+00 : f32
    %max3A_13 = vector.broadcast %max3A : f32 to vector<128x128xf32>
    %max3A_14 = arith.maximumf %add3A_12, %max3A_13 : vector<128x128xf32>
    %get3A_15 = arith.constant 0 : index
    %get3A_16 = arith.constant 0 : index
    %get3A_17 = vector.load %arg2[%get3A_15, %get3A_16] : memref<128x128xf32, #tpu.memory_space<vmem>>, vector<128x128xf32>
    %get3A_18 = arith.constant 0 : index
    %get3A_19 = arith.constant 0 : index
    %get3A_20 = vector.load %arg4[%get3A_18, %get3A_19] : memref<128x128xf32, #tpu.memory_space<vmem>>, vector<128x128xf32>
    %add3A_21 = arith.addf %get3A_17, %get3A_20 : vector<128x128xf32>
    %mul3A_22 = arith.mulf %add3A_21, %get3A_1 : vector<128x128xf32>
    %get3A_23 = arith.constant 0 : index
    %get3A_24 = arith.constant 0 : index
    %get3A_25 = vector.load %arg7[%get3A_23, %get3A_24] : memref<1x128xf32, #tpu.memory_space<vmem>>, vector<1x128xf32>
    %add3A_26 = vector.broadcast %get3A_25 : vector<1x128xf32> to vector<128x128xf32>
    %add3A_27 = arith.addf %mul3A_22, %add3A_26 : vector<128x128xf32>
    %max3A_28 = arith.constant 0.000000e+00 : f32
    %max3A_29 = vector.broadcast %max3A_28 : f32 to vector<128x128xf32>
    %max3A_30 = arith.maximumf %add3A_27, %max3A_29 : vector<128x128xf32>
    %get3A_31 = arith.constant 0 : index
    %get3A_32 = arith.constant 0 : index
    %get3A_33 = vector.load %arg8[%get3A_31, %get3A_32] : memref<256x128xf32, #tpu.memory_space<vmem>>, vector<256x128xf32>
    %slice3A = vector.extract_strided_slice %get3A_33 {offsets = [0, 0], sizes = [128, 128], strides = [1, 1]} : vector<256x128xf32> to vector<128x128xf32>
    %dot_general3A = arith.constant dense<0.000000e+00> : vector<128x128xf32>
    %dot_general3A_34 = tpu.matmul %max3A_14, %slice3A, %dot_general3A {dimension_numbers = #tpu.dot_dimension_numbers<[1], [0], [0], [1], [0, 0, 1, 1], [], []>, transpose_lhs_hint = false} : vector<128x128xf32>, vector<128x128xf32>, vector<128x128xf32> -> vector<128x128xf32>
    %slice3A_35 = vector.extract_strided_slice %get3A_33 {offsets = [128, 0], sizes = [128, 128], strides = [1, 1]} : vector<256x128xf32> to vector<128x128xf32>
    %dot_general3A_36 = arith.constant dense<0.000000e+00> : vector<128x128xf32>
    %dot_general3A_37 = tpu.matmul %max3A_30, %slice3A_35, %dot_general3A_36 {dimension_numbers = #tpu.dot_dimension_numbers<[1], [0], [0], [1], [0, 0, 1, 1], [], []>, transpose_lhs_hint = false} : vector<128x128xf32>, vector<128x128xf32>, vector<128x128xf32> -> vector<128x128xf32>
    %add3A_38 = arith.addf %dot_general3A_34, %dot_general3A_37 : vector<128x128xf32>
    %mul3A_39 = arith.mulf %add3A_38, %get3A_1 : vector<128x128xf32>
    %slice3A_40 = vector.extract_strided_slice %mul3A_39 {offsets = [0, 0], sizes = [128, 64], strides = [1, 1]} : vector<128x128xf32> to vector<128x64xf32>
    %swap3A = arith.constant 0 : index
    %swap3A_41 = arith.constant 0 : index
    %swap3A_42 = vector.load %arg9[%swap3A, %swap3A_41] : memref<128x64xf32, #tpu.memory_space<vmem>>, vector<128x64xf32>
    tpu.vector_store %arg9[%swap3A, %swap3A_41], %slice3A_40 {strides = array<i32>} : memref<128x64xf32, #tpu.memory_space<vmem>>, vector<128x64xf32>,
    %slice3A_43 = vector.extract_strided_slice %mul3A_39 {offsets = [0, 64], sizes = [128, 64], strides = [1, 1]} : vector<128x128xf32> to vector<128x64xf32>
    %swap3A_44 = arith.constant 0 : index
    %swap3A_45 = arith.constant 0 : index
    %swap3A_46 = vector.load %arg10[%swap3A_44, %swap3A_45] : memref<128x64xf32, #tpu.memory_space<vmem>>, vector<128x64xf32>
    tpu.vector_store %arg10[%swap3A_44, %swap3A_45], %slice3A_43 {strides = array<i32>} : memref<128x64xf32, #tpu.memory_space<vmem>>, vector<128x64xf32>,
    return
  }
  func.func @transform_0(%arg0: i32) -> (i32, i32) {
    %c0_i32 = arith.constant 0 : i32
    %c0_i32_0 = arith.constant 0 : i32
    return %arg0, %c0_i32 : i32, i32
  }
  func.func @transform_1(%arg0: i32) -> (i32, i32) {
    %c0_i32 = arith.constant 0 : i32
    %c0_i32_0 = arith.constant 0 : i32
    return %arg0, %c0_i32 : i32, i32
  }
  func.func @transform_2(%arg0: i32) -> (i32, i32) {
    %c0_i32 = arith.constant 0 : i32
    %c0_i32_0 = arith.constant 0 : i32
    return %arg0, %c0_i32 : i32, i32
  }
  func.func @transform_3(%arg0: i32) -> (i32, i32) {
    %c0_i32 = arith.constant 0 : i32
    %c0_i32_0 = arith.constant 0 : i32
    return %arg0, %c0_i32 : i32, i32
  }
  func.func @transform_4(%arg0: i32) -> (i32, i32) {
    %c0_i32 = arith.constant 0 : i32
    %c0_i32_0 = arith.constant 0 : i32
    return %arg0, %c0_i32 : i32, i32
  }
  func.func @transform_5(%arg0: i32) -> (i32, i32) {
    %c0_i32 = arith.constant 0 : i32
    %c0_i32_0 = arith.constant 0 : i32
    %c0_i32_1 = arith.constant 0 : i32
    return %c0_i32, %c0_i32_0 : i32, i32
  }
  func.func @transform_6(%arg0: i32) -> (i32, i32) {
    %c0_i32 = arith.constant 0 : i32
    %c0_i32_0 = arith.constant 0 : i32
    %c0_i32_1 = arith.constant 0 : i32
    return %c0_i32, %c0_i32_0 : i32, i32
  }
  func.func @transform_7(%arg0: i32) -> (i32, i32) {
    %c0_i32 = arith.constant 0 : i32
    %c0_i32_0 = arith.constant 0 : i32
    %c0_i32_1 = arith.constant 0 : i32
    return %c0_i32, %c0_i32_0 : i32, i32
  }
  func.func @transform_8(%arg0: i32) -> (i32, i32) {
    %c0_i32 = arith.constant 0 : i32
    %c0_i32_0 = arith.constant 0 : i32
    return %arg0, %c0_i32 : i32, i32
  }
  func.func @transform_9(%arg0: i32) -> (i32, i32) {
    %c0_i32 = arith.constant 0 : i32
    %c0_i32_0 = arith.constant 0 : i32
    return %arg0, %c0_i32 : i32, i32
  }
}

</mosaic_0001>

<sc_bundles>
// kernel: kernel.10.cloned.1.call-start
scs
__scs_entry_jumppad:
0x0: {  	(pc) =	sbr.rel $0x88, $3  }
0x1: {  	(tag) =	ssettag $0x0;
	lr =	simm.s32 $0x1  }
0x2: {  	[smem:$0x3F9B] =	sst lr;
	_ =	strace $0xD0000000  }
0x3: {  	_ = 	snop  }
0x4: {  	_ = 	snop  }
0x5: {  	_ = 	snop  }
0x6: {  	_ = 	snop  }
0x7: {  	_ = 	snop  }
__scs_overlays_trampoline_lowered:
0x8: {  	[smem:$0x3FAA] =	sst s0  }
0x9: {  	[smem:$0x3FAB] =	sst s1  }
0xa: {  	[smem:$0x3FAC] =	sst s2  }
0xb: {  	[smem:$0x3FAD] =	sst s3  }
0xc: {  	[smem:$0x3FAE] =	sst s4  }
0xd: {  	[smem:$0x3FAF] =	sst s5  }
0xe: {  	[smem:$0x3FB0] =	sst s6  }
0xf: {  	[smem:$0x3FB1] =	sst s7  }
0x10: {  	[smem:$0x3FB2] =	sst s8  }
0x11: {  	[smem:$0x3FB3] =	sst s9;
	s0 =	simm.s32 @!p0 $0x0  }
0x12: {  	s1 =	sld [smem:$0x3F99];
	s0 =	simm.s32 @p0 $0x1  }
0x13: {  	[smem:$0x3FB4] =	sst s0;
	s0 =	simm.s32 @!p1 $0x0  }
0x14: {  	s2 =	sld [smem:$0x3F98];
	s0 =	simm.s32 @p1 $0x1  }
0x15: {  	[smem:$0x3FB5] =	sst s0;
	s0 =	simm.s32 @!p2 $0x0  }
0x16: {  	s3 =	sld [smem:$0x3FDB];
	s0 =	simm.s32 @p2 $0x1  }
0x17: {  	s4 =	simm.s32 $0x1BF5;
	[smem:$0x3FB7] =	sst s0  }
0x18: {  	s0 =	sld [smem:$0x3F9A];
	_ =	swait.ge [sflag:s4], $0x0  }
0x19: {  	s7 =	sld [smem:$0x3F9B]  }
0x1a: {  	s8 =	sadd.s32 $0xFFFFE003, lr  }
0x1b: {  	s9 =	sadd.s32 $0xFFFFFEF7, lr;
	s5 =	simm.s32 $0xFFFFFFFF;
	p2 =	slt.u32 s8, $0xFFFFF086  }
0x1c: {  	p1 =	slt.u32 s9, $0xF7A;
	s5 =	simm.s32 @!p2 $0x0  }
0x1d: {  	s5 =	simm.s32 @p1 $0x1;
	p0 =	seq.s32 s7, s2  }
0x1e: {  	s7 =	smul.u32 @!p0 $0xF7A, s2;
	p2 =	seq.s32 @!p0 s5, $0x0  }
0x1f: {  	s9 =	smul.u32 $0xF7A, s1;
	s8 =	simm.s32 @!p0 $0x1BF5;
	p2 =	por !p2, p0  }
0x20: {  	[sflag:s8] =	ssyncset.s32 @!p0 $0xFFFFF086;
	s6 =	sadd.s32 @!p0 s3, s7;
	s7 =	simm.s32 @!p0 $0x108  }
0x21: {  	s3 =	sadd.s32 s3, s9;
	s6 =	sadd.s32 @!p0 $0x88, s6;
	s7 =	simm.s32 @p2 $0x1082  }
0x22: {  	[simem:s7], [sflag:s8] =	dma.local @!p0 [hbm:s6], $0xF7A  }
0x23: {  	s9 =	sor.u32 $0xD0000000, s2;
	s6 =	simm.s32 $0x108;
	_ =	swait.ge @!p0 [sflag:s8], $0x0  }
0x24: {  	s3 =	sadd.s32 $0x88, s3;
	s6 =	simm.s32 @!p1 $0x1082;
	[sflag:s4] =	ssyncset.s32 $0xFFFFF086  }
0x25: {  	[simem:s6], [sflag:s4] =	dma.local [hbm:s3], $0xF7A  }
0x26: {  	[smem:$0x3F9B] =	sst s1;
	(tag) =	ssettag s2;
	_ =	strace s9  }
0x27: {  	s1 =	sld [smem:$0x3FAB]  }
0x28: {  	s2 =	sld [smem:$0x3FAC]  }
0x29: {  	s4 =	sld [smem:$0x3FAE]  }
0x2a: {  	p0 =	seq.s32 s5, $0x0;
	s5 =	sld [smem:$0x3FAF]  }
0x2b: {  	s6 =	sld [smem:$0x3FB0]  }
0x2c: {  	s7 =	sld [smem:$0x3FB1]  }
0x2d: {  	s3 =	simm.s32 $0x108;
	s8 =	sld [smem:$0x3FB2]  }
0x2e: {  	s3 =	simm.s32 @!p0 $0x1082;
	s9 =	sld [smem:$0x3FB3]  }
0x2f: {  	lr =	sadd.s32 s0, s3;
	s0 =	sld [smem:$0x3FAA]  }
0x30: {  	s3 =	sld [smem:$0x3FAD]  }
0x31: {  	[smem:$0x3FB6] =	sst s10  }
0x32: {  	s10 =	sld [smem:$0x3FB4];
	_ =	sdelay $0x3  }
0x33: {  	p0 =	seq.s32 s10, $0x1;
	s10 =	sld [smem:$0x3FB6];
	_ =	sdelay $0x3  }
0x34: {  	[smem:$0x3FB6] =	sst s10  }
0x35: {  	s10 =	sld [smem:$0x3FB5];
	_ =	sdelay $0x3  }
0x36: {  	p1 =	seq.s32 s10, $0x1;
	s10 =	sld [smem:$0x3FB6];
	_ =	sdelay $0x3  }
0x37: {  	[smem:$0x3FB6] =	sst s10  }
0x38: {  	s10 =	sld [smem:$0x3FB7]  }
0x39: {  	_ = 	snop;
	(pc) =	sbr.ind lr, $3  }
0x3a: {  	_ = 	snop  }
0x3b: {  	_ = 	snop  }
0x3c: {  	p2 =	seq.s32 s10, $0x1;
	s10 =	sld [smem:$0x3FB6]  }
0x3d: {  	_ =	shalt  }
0x3e: {  	_ =	shalt  }
0x3f: {  	_ =	shalt  }
0x40: {  	_ =	shalt  }
0x41: {  	_ =	shalt  }
0x42: {  	_ =	shalt  }
0x43: {  	_ =	shalt  }
0x44: {  	_ =	shalt  }
0x45: {  	_ =	shalt  }
0x46: {  	_ =	shalt  }
0x47: {  	_ =	shalt  }
0x48: {  	_ =	shalt  }
0x49: {  	_ =	shalt  }
0x4a: {  	_ =	shalt  }
0x4b: {  	_ =	shalt  }
0x4c: {  	_ =	shalt  }
0x4d: {  	_ =	shalt  }
0x4e: {  	_ =	shalt  }
0x4f: {  	_ =	shalt  }
0x50: {  	_ =	shalt  }
0x51: {  	_ =	shalt  }
0x52: {  	_ =	shalt  }
0x53: {  	_ =	shalt  }
0x54: {  	_ =	shalt  }
0x55: {  	_ =	shalt  }
0x56: {  	_ =	shalt  }
0x57: {  	_ =	shalt  }
0x58: {  	_ =	shalt  }
0x59: {  	_ =	shalt  }
0x5a: {  	_ =	shalt  }
0x5b: {  	_ =	shalt  }
0x5c: {  	_ =	shalt  }
0x5d: {  	_ =	shalt  }
0x5e: {  	_ =	shalt  }
0x5f: {  	_ =	shalt  }
0x60: {  	_ =	shalt  }
0x61: {  	_ =	shalt  }
0x62: {  	_ =	shalt  }
0x63: {  	_ =	shalt  }
0x64: {  	_ =	shalt  }
0x65: {  	_ =	shalt  }
0x66: {  	_ =	shalt  }
0x67: {  	_ =	shalt  }
0x68: {  	_ =	shalt  }
0x69: {  	_ =	shalt  }
0x6a: {  	_ =	shalt  }
0x6b: {  	_ =	shalt  }
0x6c: {  	_ =	shalt  }
0x6d: {  	_ =	shalt  }
0x6e: {  	_ =	shalt  }
0x6f: {  	_ =	shalt  }
0x70: {  	_ =	shalt  }
0x71: {  	_ =	shalt  }
0x72: {  	_ =	shalt  }
0x73: {  	_ =	shalt  }
0x74: {  	_ =	shalt  }
0x75: {  	_ =	shalt  }
0x76: {  	_ =	shalt  }
0x77: {  	_ =	shalt  }
0x78: {  	_ =	shalt  }
0x79: {  	_ =	shalt  }
0x7a: {  	_ =	shalt  }
0x7b: {  	_ =	shalt  }
0x7c: {  	_ =	shalt  }
0x7d: {  	_ =	shalt  }
0x7e: {  	_ =	shalt  }
0x7f: {  	_ =	shalt  }
0x80: {  	_ =	shalt  }
0x81: {  	_ =	shalt  }
0x82: {  	_ =	shalt  }
0x83: {  	_ =	shalt  }
0x84: {  	_ =	shalt  }
0x85: {  	_ =	shalt  }
0x86: {  	_ =	shalt  }
0x87: {  	_ =	shalt  }
.Lfunc_end0:
.L_simem_size_0:
called_computation.1_lowered:
.L_overlay_start_0:
0x88: {  	s2 =	sld [smem:$0x3FD9]  }
0x89: {  	s3 =	sld [smem:$0x3FFE];
	_ =	sdelay $0x1  }
0x8a: {  	s1 =	srdreg.scid  }
0x8b: {  	s0 =	sand.u32 $0x1, s1  }
0x8c: {  	s17 =	sshll.u32 s0, $0xA;
	s2 =	sadd.s32 s3, s2  }
0x8d: {  	s2 =	sadd.s32 s2, s17  }
0x8e: {  	[smem:$0x3FC2] =	sst s2  }
0x8f: {  	_ = 	snop  }
0x90: {  	s2 =	sld [smem:$0x3FD0];
	(tm) =	ssettm $0x1  }
0x91: {  	s18 =	sld [smem:$0x3FFB];
	_ =	sdelay $0x3  }
0x92: {  	_ =	strace s18  }
0x93: {  	s3 =	sld [smem:$0x3FFC];
	_ =	sdelay $0x3  }
0x94: {  	_ =	strace s3  }
0x95: {  	s3 =	sld [smem:$0x3FFD];
	_ =	sdelay $0x3  }
0x96: {  	_ =	strace s3  }
0x97: {  	_ =	strace $0x8FFFFFFF  }
0x98: {  	s19 =	sld [smem:$0x3FDB];
	_ =	sdelay $0x1  }
0x99: {  	s4 =	simm.s32 $_scs_section_size  }
0x9a: {  	s5 =	simm.s32 $_size__tile_overlayer_lowered;
	s6 =	simm.s32 $_tile_overlayer_lowered  }
0x9b: {  	s22 =	simm.s32 $0x1BFF;
	s21 =	sshll.u32 s6, $0x1;
	s3 =	sadd.s32 s4, s19  }
0x9c: {  	s7 =	simm.s32 $0x0;
	s20 =	sshll.u32 s5, $0x1;
	s5 =	sadd.s32 s21, s3  }
0x9d: {  	[timem:s7], [sflag:s22] =	dma.local [hbm:s5], s20  }
0x9e: {  	_ =	swait.ge [sflag:s22], s20  }
0x9f: {  	s4 =	ssub.s32 $0x0, s20;
	[sflag:s22] =	ssyncset.done $0x0  }
0xa0: {  	[sflag:s22] =	ssyncadd.s32 s4;
	_ =	sdelay $0x1  }
0xa1: {  	s23 =	simm.s32 $0x1B8B  }
0xa2: {  	_ =	swait.ge [sflag:s23], $0x1  }
0xa3: {  	[sflag:s23] =	ssyncset.done $0x0  }
0xa4: {  	s25 =	simm.s32 $0x1B8E;
	s24 =	sld [smem:$0x3FFE];
	[sflag:s23] =	ssyncadd.s32 $0xFFFFFFFF  }
0xa5: {  	s26 =	simm.s32 $execute0_lowered;
	[smem:$0x3FD2] =	sst s25  }
0xa6: {  	s5 =	sshll.u32 s26, $0x1;
	_ =	strace $0x80000049;
	[dreg:$0x1] =	wrdreg $0xFFFFFFFF  }
0xa7: {  	s28 =	simm.s32 $_size_execute0_lowered;
	s3 =	sadd.s32 s3, s5;
	[dreg:$0x0] =	wrdreg $0x0  }
0xa8: {  	s5 =	sshll.u32 s28, $0x1;
	[dreg:$0x2] =	wrdreg s3  }
0xa9: {  	[dreg:$0x3] =	wrdreg s5  }
0xaa: {  	[dreg:$0x4] =	wrdreg $0xC0  }
0xab: {  	_ =	task [dreg:s7], $0x5FFFF  }
0xac: {  	[dreg:$0x1] =	wrdreg $0xFFFFFFFF  }
0xad: {  	[dreg:$0x0] =	wrdreg $0x60  }
0xae: {  	[dreg:$0x2] =	wrdreg s2  }
0xaf: {  	[dreg:$0x3] =	wrdreg s24  }
0xb0: {  	[dreg:$0x4] =	wrdreg $0x90000  }
0xb1: {  	[dreg:$0x5] =	wrdreg $0x9  }
0xb2: {  	_ =	task.clear_ibuf [dreg:s7], $0x6FFFF;
	_ =	strace $0x90000049  }
0xb3: {  	s29 =	simm.s32 $0x9;
	_ =	strace $0x8000004B  }
0xb4: {  	_ =	swait.ge [sflag:s29], $0x1  }
0xb5: {  	[sflag:s29] =	ssyncadd.s32 $0xFFFFFFFF  }
0xb6: {  	_ =	strace $0x9000004B  }
0xb7: {  	_ =	sfence  }
0xb8: {  	s30 =	sld [smem:$0x0];
	_ =	sdelay $0x2  }
0xb9: {  	s31 =	sshll.u32 s1, $0xD;
	s1 =	sshrl.u32 s1, $0x2  }
0xba: {  	s3 =	sand.u32 $0x4000, s31;
	s1 =	sadd.s32 s1, s30  }
0xbb: {  	s0 =	sor.u32 s3, s0;
	s1 =	sshll.u32 s1, $0x11  }
0xbc: {  	s0 =	sor.u32 s1, s0  }
0xbd: {  	s0 =	sadd.s32 $0x8F2B, s0  }
0xbe: {  	[sflag:s0] =	ssyncadd.remote.s32 $0x1  }
0xbf: {  	_ =	sfence.sel $0xFFFF  }
0xc0: {  	[dreg:$0x0] =	wrdreg $0xFFFFFFFF;
	(pc) =	sbr.abs _section_cstart, $3  }
0xc1: {  	[dreg:$0x1] =	wrdreg $0xFFFFFFFF  }
0xc2: {  	_ =	task.clear_ibuf [dreg:s7], $0x2FFFF;
	_ =	strace $0x9FFFFFFF  }
0xc3: {  	(tm) =	ssettm $0x7FFFFFFF  }
tec
execute0_lowered:
.L_overlay_start_1:
0x0: {  	(tag) =	ssettag $0x1  }
0x1: {  	s6 =	rddreg [dreg:$0x0]  }
0x2: {  	s7 =	rddreg [dreg:$0x1]  }
0x3: {  	s0 =	srdreg.scid;
	s2 =	rddreg [dreg:$0x2]  }
0x4: {  	s1 =	rddreg [dreg:$0x3];
	s5 =	sand.u32 $0x1, s0  }
0x5: {  	s0 =	stileid.u32;
	s4 =	smul.u32 $0x28000, s5  }
0x6: {  	s3 =	simm.s32 $0x0;
	s14 =	simm.s32 $0x80;
	s8 =	smul.u32 $0x2800, s0  }
0x7: {  	s15 =	simm.s32 $0x5000;
	s16 =	simm.s32 $0x1;
	s28 =	smul.u32 $0x140000, s5  }
0x8: {  	s17 =	simm.s32 $0x0;
	[smem:$0x7FF] =	sst s3;
	s10 =	smul.u32 $0x14000, s0  }
0x9: {  	_ =	strace $0x8000004A;
	s29 =	ssub.s32 $0x2, s5;
	s13 =	smul.u32 $0x50000, s0  }
0xa: {  	s5 =	sadd.s32 $0x1E00, s7;
	s31 =	sshll.u32 s0, $0x6;
	s12 =	sshrl.u32 s29, $0x1  }
0xb: {  	s4 =	sadd.s32 s8, s4;
	s8 =	sadd.s32 s10, s28;
	s10 =	ssub.s32 s29, s12  }
0xc: {  	s30 =	sshrl.u32 s13, $0x2;
	s12 =	sor.u32 $0x1C02, s31;
	s9 =	sshrl.u32 s4, $0x3  }
0xd: {  	s4 =	sadd.s32 $0x7EE00, s7;
	s8 =	sshrl.u32 s8, $0x3;
	s13 =	sadd.s32 s30, s2  }
0xe: {  	s11 =	sadd.s32 s9, s7;
	s8 =	sadd.s32 s8, s7;
	s6 =	sadd.s32 s6, s9  }
0xf: {  	s9 =	smax.u32 s10, $0x1;
	s10 =	simm.s32 $0x2;
	s13 =	sshrl.u32 s13, $0x3  }
0x10: {  	s7 =	sadd.s32 $0xCEE00, s11;
	s8 =	sadd.s32 $0xD8E00, s8;
	s11 =	simm.s32 $0x2800  }
.LBB2_1:
0x11: {  	[tilespmem:s3], [sflag:$0x2] =	stream.linear.gather [hbm4b:s6+s3], $0x2800, $0x38;
	[tilespmem:$0x1D000] =	vst v63  }
0x12: {  	_ =	swait.ge [sflag:s10], $0x2800  }
0x13: {  	[sflag:s10] =	ssyncset.done $0x0  }
0x14: {  	[sflag:s10] =	ssyncadd.s32 $0xFFFFD800  }
0x15: {  	[tilespmem:s11], [sflag:$0x2] =	stream.linear.gather [hbm4b:s7+s3], $0x2800, $0x38;
	[tilespmem:$0x1D000] =	vst v63  }
0x16: {  	_ =	swait.ge [sflag:s10], $0x2800  }
0x17: {  	[sflag:s10] =	ssyncset.done $0x0  }
0x18: {  	[sflag:s10] =	ssyncadd.s32 $0xFFFFD800  }
0x19: {  	[spmem:s13], [sflag:s12] =	dma.local [hbm:s5], $0x2800  }
0x1a: {  	_ =	swait.ge [sflag:s10], $0x2800  }
0x1b: {  	[sflag:s10] =	ssyncset.done $0x0  }
0x1c: {  	[sflag:s10] =	ssyncadd.s32 $0xFFFFD800  }
0x1d: {  	s18 =	simm.s32 $0x0;
	[bflag:$0x0] =	sbarrier.arrive $0xFFFF  }
0x1e: {  	[tilespmem:s15], [sflag:$0x1] =	stream.indirect.gather [hbm4b:s4+s14], $0x80, s18, s14, $0xb8;
	[tilespmem:$0x1D000] =	vst v63  }
0x1f: {  	_ =	swait.ge [sflag:s16], $0x4000  }
0x20: {  	[sflag:s16] =	ssyncset.done $0x0  }
0x21: {  	s31 =	simm.s32 $0x2800;
	[sflag:s16] =	ssyncadd.s32 $0xFFFFC000  }
0x22: {  	[spmem:s2] =	stream.indirect.scatter.add.f32 [tilespmem:s15], [sflag:$0x2], $0x80, s31, s14, $0xb8;
	[tilespmem:$0x1D000] =	vst v63  }
0x23: {  	_ =	swait.ge [sflag:s10], $0x4000  }
0x24: {  	s19 =	simm.s32 $0x400;
	s18 =	simm.s32 $0x200;
	[sflag:s10] =	ssyncset.done $0x0  }
.LBB2_2:
0x25: {  	s20 =	sshra.s32 s18, $0x2  }
0x26: {  	[sflag:s10] =	ssyncadd.s32 $0xFFFFC000;
	s18 =	smov.u32 s19;
	s21 =	sadd.s32 $0x200, s19  }
0x27: {  	[tilespmem:s15], [sflag:$0x1] =	stream.indirect.gather [hbm4b:s4+s14], $0x80, s20, s14, $0xb8;
	[tilespmem:$0x1D000] =	vst v63  }
0x28: {  	p0 =	sne.s32 s19, $0x9E00;
	_ =	swait.ge [sflag:s16], $0x4000  }
.Ltmp0:
0x29: {  	[sflag:s16] =	ssyncset.done $0x0;
	(pc) =	sbr.rel @p0 .LBB2_2-.Ltmp0, $4  }
0x2a: {  	s19 =	sadd.s32 $0x2800, s20;
	[sflag:s16] =	ssyncadd.s32 $0xFFFFC000  }
0x2b: {  	[spmem:s2] =	stream.indirect.scatter.add.f32 [tilespmem:s15], [sflag:$0x2], $0x80, s19, s14, $0xb8;
	[tilespmem:$0x1D000] =	vst v63  }
0x2c: {  	_ =	swait.ge [sflag:s10], $0x4000  }
0x2d: {  	s19 =	smov.u32 s21;
	[sflag:s10] =	ssyncset.done $0x0  }
0x2e: {  	s18 =	sshra.s32 s18, $0x2;
	[sflag:s10] =	ssyncadd.s32 $0xFFFFC000  }
0x2f: {  	[tilespmem:s15], [sflag:$0x1] =	stream.indirect.gather [hbm4b:s4+s14], $0x80, s18, s14, $0xb8;
	[tilespmem:$0x1D000] =	vst v63  }
0x30: {  	_ =	swait.ge [sflag:s16], $0x4000  }
0x31: {  	[sflag:s16] =	ssyncset.done $0x0  }
0x32: {  	s18 =	sadd.s32 $0x2800, s18;
	[sflag:s16] =	ssyncadd.s32 $0xFFFFC000  }
0x33: {  	[spmem:s2] =	stream.indirect.scatter.add.f32 [tilespmem:s15], [sflag:$0x2], $0x80, s18, s14, $0xb8;
	[tilespmem:$0x1D000] =	vst v63  }
0x34: {  	_ =	swait.ge [sflag:s10], $0x4000  }
0x35: {  	s17 =	sadd.s32 $0x1, s17;
	[sflag:s10] =	ssyncset.done $0x0  }
0x36: {  	p0 =	sne.s32 s17, s9;
	[sflag:s10] =	ssyncadd.s32 $0xFFFFC000  }
.Ltmp1:
0x37: {  	[bflag:$0x0] =	sbarrier.arrive $0xFFFF;
	(pc) =	sbr.rel @p0 .LBB2_1-.Ltmp1, $4  }
0x38: {  	[hbm:s8], [sflag:s12] =	dma.local [spmem:s13], $0x2800  }
0x39: {  	_ =	swait.ge [sflag:s10], $0x2800  }
0x3a: {  	[sflag:s10] =	ssyncset.done $0x0  }
0x3b: {  	[sflag:s10] =	ssyncadd.s32 $0xFFFFD800  }
0x3c: {  	_ =	sfence.sel $0x180000  }
0x3d: {  	[bflag:$0x0] =	sbarrier.arrive $0xFFFF  }
0x3e: {  	p0 =	sne.s32 s0, $0x0;
	_ =	strace $0x9000004A  }
0x3f: {  	s0 =	sadd.s32 @!p0 $0x100000, s1;
	[bflag:$0x2] =	sbarrier.arrive $0xFFFF  }
0x40: {  	[sflag:s0] =	ssyncadd.tile.s32 @!p0 $0x1;
	_ =	shalt  }
.Lfunc_end2:
_tile_overlayer_lowered:
.L_overlay_start_2:
0x41: {  	(tag) =	ssettag $0x2  }
0x42: {  	s0 =	rddreg [dreg:$0x0];
	s2 =	stileid.u32  }
0x43: {  	s1 =	rddreg [dreg:$0x1];
	p0 =	sne.s32 s2, $0x0  }
0x44: {  	s3 =	rddreg [dreg:$0x2];
	[bflag:$0x3] =	sbarrier.arrive $0xFFFF;
	s2 =	simm.s32 @!p0 $0x1C02  }
0x45: {  	[timem:s3], [sflag:s2] =	dma.local @!p0 [hbm:s0], s1  }
0x46: {  	s0 =	simm.s32 @!p0 $0x2  }
0x47: {  	_ =	swait.ge @!p0 [sflag:s0], s1  }
0x48: {  	s1 =	ssub.s32 @!p0 $0x0, s1;
	[sflag:s0] =	ssyncset.done @!p0 $0x0  }
0x49: {  	[sflag:s0] =	ssyncadd.s32 @!p0 s1  }
0x4a: {  	[bflag:$0x3] =	sbarrier.arrive $0xFFFF  }
0x4b: {  	_ =	shalt  }

// kernel: kernel.13.cloned.1.call-start
scs
__scs_entry_jumppad:
0x0: {  	(pc) =	sbr.rel $0x88, $3  }
0x1: {  	(tag) =	ssettag $0x0;
	lr =	simm.s32 $0x1  }
0x2: {  	[smem:$0x3F9B] =	sst lr;
	_ =	strace $0xD0000000  }
0x3: {  	_ = 	snop  }
0x4: {  	_ = 	snop  }
0x5: {  	_ = 	snop  }
0x6: {  	_ = 	snop  }
0x7: {  	_ = 	snop  }
__scs_overlays_trampoline_lowered:
0x8: {  	[smem:$0x3FAA] =	sst s0  }
0x9: {  	[smem:$0x3FAB] =	sst s1  }
0xa: {  	[smem:$0x3FAC] =	sst s2  }
0xb: {  	[smem:$0x3FAD] =	sst s3  }
0xc: {  	[smem:$0x3FAE] =	sst s4  }
0xd: {  	[smem:$0x3FAF] =	sst s5  }
0xe: {  	[smem:$0x3FB0] =	sst s6  }
0xf: {  	[smem:$0x3FB1] =	sst s7  }
0x10: {  	[smem:$0x3FB2] =	sst s8  }
0x11: {  	[smem:$0x3FB3] =	sst s9;
	s0 =	simm.s32 @!p0 $0x0  }
0x12: {  	s1 =	sld [smem:$0x3F99];
	s0 =	simm.s32 @p0 $0x1  }
0x13: {  	[smem:$0x3FB4] =	sst s0;
	s0 =	simm.s32 @!p1 $0x0  }
0x14: {  	s2 =	sld [smem:$0x3F98];
	s0 =	simm.s32 @p1 $0x1  }
0x15: {  	[smem:$0x3FB5] =	sst s0;
	s0 =	simm.s32 @!p2 $0x0  }
0x16: {  	s3 =	sld [smem:$0x3FDB];
	s0 =	simm.s32 @p2 $0x1  }
0x17: {  	s4 =	simm.s32 $0x1BF5;
	[smem:$0x3FB7] =	sst s0  }
0x18: {  	s0 =	sld [smem:$0x3F9A];
	_ =	swait.ge [sflag:s4], $0x0  }
0x19: {  	s7 =	sld [smem:$0x3F9B]  }
0x1a: {  	s8 =	sadd.s32 $0xFFFFE003, lr  }
0x1b: {  	s9 =	sadd.s32 $0xFFFFFEF7, lr;
	s5 =	simm.s32 $0xFFFFFFFF;
	p2 =	slt.u32 s8, $0xFFFFF086  }
0x1c: {  	p1 =	slt.u32 s9, $0xF7A;
	s5 =	simm.s32 @!p2 $0x0  }
0x1d: {  	s5 =	simm.s32 @p1 $0x1;
	p0 =	seq.s32 s7, s2  }
0x1e: {  	s7 =	smul.u32 @!p0 $0xF7A, s2;
	p2 =	seq.s32 @!p0 s5, $0x0  }
0x1f: {  	s9 =	smul.u32 $0xF7A, s1;
	s8 =	simm.s32 @!p0 $0x1BF5;
	p2 =	por !p2, p0  }
0x20: {  	[sflag:s8] =	ssyncset.s32 @!p0 $0xFFFFF086;
	s6 =	sadd.s32 @!p0 s3, s7;
	s7 =	simm.s32 @!p0 $0x108  }
0x21: {  	s3 =	sadd.s32 s3, s9;
	s6 =	sadd.s32 @!p0 $0x88, s6;
	s7 =	simm.s32 @p2 $0x1082  }
0x22: {  	[simem:s7], [sflag:s8] =	dma.local @!p0 [hbm:s6], $0xF7A  }
0x23: {  	s9 =	sor.u32 $0xD0000000, s2;
	s6 =	simm.s32 $0x108;
	_ =	swait.ge @!p0 [sflag:s8], $0x0  }
0x24: {  	s3 =	sadd.s32 $0x88, s3;
	s6 =	simm.s32 @!p1 $0x1082;
	[sflag:s4] =	ssyncset.s32 $0xFFFFF086  }
0x25: {  	[simem:s6], [sflag:s4] =	dma.local [hbm:s3], $0xF7A  }
0x26: {  	[smem:$0x3F9B] =	sst s1;
	(tag) =	ssettag s2;
	_ =	strace s9  }
0x27: {  	s1 =	sld [smem:$0x3FAB]  }
0x28: {  	s2 =	sld [smem:$0x3FAC]  }
0x29: {  	s4 =	sld [smem:$0x3FAE]  }
0x2a: {  	p0 =	seq.s32 s5, $0x0;
	s5 =	sld [smem:$0x3FAF]  }
0x2b: {  	s6 =	sld [smem:$0x3FB0]  }
0x2c: {  	s7 =	sld [smem:$0x3FB1]  }
0x2d: {  	s3 =	simm.s32 $0x108;
	s8 =	sld [smem:$0x3FB2]  }
0x2e: {  	s3 =	simm.s32 @!p0 $0x1082;
	s9 =	sld [smem:$0x3FB3]  }
0x2f: {  	lr =	sadd.s32 s0, s3;
	s0 =	sld [smem:$0x3FAA]  }
0x30: {  	s3 =	sld [smem:$0x3FAD]  }
0x31: {  	[smem:$0x3FB6] =	sst s10  }
0x32: {  	s10 =	sld [smem:$0x3FB4];
	_ =	sdelay $0x3  }
0x33: {  	p0 =	seq.s32 s10, $0x1;
	s10 =	sld [smem:$0x3FB6];
	_ =	sdelay $0x3  }
0x34: {  	[smem:$0x3FB6] =	sst s10  }
0x35: {  	s10 =	sld [smem:$0x3FB5];
	_ =	sdelay $0x3  }
0x36: {  	p1 =	seq.s32 s10, $0x1;
	s10 =	sld [smem:$0x3FB6];
	_ =	sdelay $0x3  }
0x37: {  	[smem:$0x3FB6] =	sst s10  }
0x38: {  	s10 =	sld [smem:$0x3FB7]  }
0x39: {  	_ = 	snop;
	(pc) =	sbr.ind lr, $3  }
0x3a: {  	_ = 	snop  }
0x3b: {  	_ = 	snop  }
0x3c: {  	p2 =	seq.s32 s10, $0x1;
	s10 =	sld [smem:$0x3FB6]  }
0x3d: {  	_ =	shalt  }
0x3e: {  	_ =	shalt  }
0x3f: {  	_ =	shalt  }
0x40: {  	_ =	shalt  }
0x41: {  	_ =	shalt  }
0x42: {  	_ =	shalt  }
0x43: {  	_ =	shalt  }
0x44: {  	_ =	shalt  }
0x45: {  	_ =	shalt  }
0x46: {  	_ =	shalt  }
0x47: {  	_ =	shalt  }
0x48: {  	_ =	shalt  }
0x49: {  	_ =	shalt  }
0x4a: {  	_ =	shalt  }
0x4b: {  	_ =	shalt  }
0x4c: {  	_ =	shalt  }
0x4d: {  	_ =	shalt  }
0x4e: {  	_ =	shalt  }
0x4f: {  	_ =	shalt  }
0x50: {  	_ =	shalt  }
0x51: {  	_ =	shalt  }
0x52: {  	_ =	shalt  }
0x53: {  	_ =	shalt  }
0x54: {  	_ =	shalt  }
0x55: {  	_ =	shalt  }
0x56: {  	_ =	shalt  }
0x57: {  	_ =	shalt  }
0x58: {  	_ =	shalt  }
0x59: {  	_ =	shalt  }
0x5a: {  	_ =	shalt  }
0x5b: {  	_ =	shalt  }
0x5c: {  	_ =	shalt  }
0x5d: {  	_ =	shalt  }
0x5e: {  	_ =	shalt  }
0x5f: {  	_ =	shalt  }
0x60: {  	_ =	shalt  }
0x61: {  	_ =	shalt  }
0x62: {  	_ =	shalt  }
0x63: {  	_ =	shalt  }
0x64: {  	_ =	shalt  }
0x65: {  	_ =	shalt  }
0x66: {  	_ =	shalt  }
0x67: {  	_ =	shalt  }
0x68: {  	_ =	shalt  }
0x69: {  	_ =	shalt  }
0x6a: {  	_ =	shalt  }
0x6b: {  	_ =	shalt  }
0x6c: {  	_ =	shalt  }
0x6d: {  	_ =	shalt  }
0x6e: {  	_ =	shalt  }
0x6f: {  	_ =	shalt  }
0x70: {  	_ =	shalt  }
0x71: {  	_ =	shalt  }
0x72: {  	_ =	shalt  }
0x73: {  	_ =	shalt  }
0x74: {  	_ =	shalt  }
0x75: {  	_ =	shalt  }
0x76: {  	_ =	shalt  }
0x77: {  	_ =	shalt  }
0x78: {  	_ =	shalt  }
0x79: {  	_ =	shalt  }
0x7a: {  	_ =	shalt  }
0x7b: {  	_ =	shalt  }
0x7c: {  	_ =	shalt  }
0x7d: {  	_ =	shalt  }
0x7e: {  	_ =	shalt  }
0x7f: {  	_ =	shalt  }
0x80: {  	_ =	shalt  }
0x81: {  	_ =	shalt  }
0x82: {  	_ =	shalt  }
0x83: {  	_ =	shalt  }
0x84: {  	_ =	shalt  }
0x85: {  	_ =	shalt  }
0x86: {  	_ =	shalt  }
0x87: {  	_ =	shalt  }
.Lfunc_end0:
.L_simem_size_0:
called_computation.2_lowered:
.L_overlay_start_0:
0x88: {  	s2 =	sld [smem:$0x3FD9]  }
0x89: {  	s3 =	sld [smem:$0x3FFE];
	_ =	sdelay $0x1  }
0x8a: {  	s1 =	srdreg.scid  }
0x8b: {  	s0 =	sand.u32 $0x1, s1  }
0x8c: {  	s17 =	sshll.u32 s0, $0xA;
	s2 =	sadd.s32 s3, s2  }
0x8d: {  	s2 =	sadd.s32 s2, s17  }
0x8e: {  	[smem:$0x3FC2] =	sst s2  }
0x8f: {  	_ = 	snop  }
0x90: {  	s2 =	sld [smem:$0x3FC4]  }
0x91: {  	s18 =	sld [smem:$0x3FD0];
	(tm) =	ssettm $0x1  }
0x92: {  	s4 =	sld [smem:$0x3FFB];
	_ =	sdelay $0x3  }
0x93: {  	_ =	strace s4  }
0x94: {  	s4 =	sld [smem:$0x3FFC];
	_ =	sdelay $0x3  }
0x95: {  	_ =	strace s4  }
0x96: {  	s4 =	sld [smem:$0x3FFD];
	_ =	sdelay $0x3  }
0x97: {  	_ =	strace s4  }
0x98: {  	_ =	strace $0x8FFFFFFF  }
0x99: {  	s19 =	sld [smem:$0x3FDB];
	_ =	sdelay $0x1  }
0x9a: {  	s5 =	simm.s32 $_scs_section_size  }
0x9b: {  	s6 =	simm.s32 $_size__tile_overlayer_lowered;
	s7 =	simm.s32 $_tile_overlayer_lowered  }
0x9c: {  	s22 =	simm.s32 $0x1BFF;
	s21 =	sshll.u32 s7, $0x1;
	s4 =	sadd.s32 s5, s19  }
0x9d: {  	s8 =	simm.s32 $0x0;
	s20 =	sshll.u32 s6, $0x1;
	s6 =	sadd.s32 s21, s4  }
0x9e: {  	[timem:s8], [sflag:s22] =	dma.local [hbm:s6], s20  }
0x9f: {  	_ =	swait.ge [sflag:s22], s20  }
0xa0: {  	s5 =	ssub.s32 $0x0, s20;
	[sflag:s22] =	ssyncset.done $0x0  }
0xa1: {  	[sflag:s22] =	ssyncadd.s32 s5;
	_ =	sdelay $0x1  }
0xa2: {  	s23 =	simm.s32 $0x1B8B  }
0xa3: {  	_ =	swait.ge [sflag:s23], $0x1  }
0xa4: {  	[sflag:s23] =	ssyncset.done $0x0  }
0xa5: {  	s25 =	simm.s32 $0x1B8E;
	s24 =	sld [smem:$0x3FFE];
	[sflag:s23] =	ssyncadd.s32 $0xFFFFFFFF  }
0xa6: {  	s26 =	simm.s32 $execute0_lowered;
	[smem:$0x3FD2] =	sst s25  }
0xa7: {  	s6 =	sshll.u32 s26, $0x1;
	_ =	strace $0x8000004C;
	[dreg:$0x1] =	wrdreg $0xFFFFFFFF  }
0xa8: {  	s28 =	simm.s32 $_size_execute0_lowered;
	s4 =	sadd.s32 s4, s6;
	[dreg:$0x0] =	wrdreg $0x0  }
0xa9: {  	s6 =	sshll.u32 s28, $0x1;
	[dreg:$0x2] =	wrdreg s4  }
0xaa: {  	[dreg:$0x3] =	wrdreg s6  }
0xab: {  	[dreg:$0x4] =	wrdreg $0xC0  }
0xac: {  	_ =	task [dreg:s8], $0x5FFFF  }
0xad: {  	[dreg:$0x1] =	wrdreg $0xFFFFFFFF  }
0xae: {  	[dreg:$0x0] =	wrdreg $0x60  }
0xaf: {  	[dreg:$0x2] =	wrdreg s18  }
0xb0: {  	[dreg:$0x3] =	wrdreg s24  }
0xb1: {  	[dreg:$0x4] =	wrdreg s2  }
0xb2: {  	[dreg:$0x5] =	wrdreg $0xA8400  }
0xb3: {  	[dreg:$0x6] =	wrdreg $0x9  }
0xb4: {  	_ =	task.clear_ibuf [dreg:s8], $0x7FFFF;
	_ =	strace $0x9000004C  }
0xb5: {  	s29 =	simm.s32 $0x9;
	_ =	strace $0x8000004E  }
0xb6: {  	_ =	swait.ge [sflag:s29], $0x1  }
0xb7: {  	[sflag:s29] =	ssyncadd.s32 $0xFFFFFFFF  }
0xb8: {  	_ =	strace $0x9000004E  }
0xb9: {  	_ =	sfence  }
0xba: {  	s30 =	sld [smem:$0x0];
	_ =	sdelay $0x2  }
0xbb: {  	s31 =	sshll.u32 s1, $0xD;
	s1 =	sshrl.u32 s1, $0x2  }
0xbc: {  	s3 =	sand.u32 $0x4000, s31;
	s1 =	sadd.s32 s1, s30  }
0xbd: {  	s0 =	sor.u32 s3, s0;
	s1 =	sshll.u32 s1, $0x11  }
0xbe: {  	s0 =	sor.u32 s1, s0  }
0xbf: {  	s0 =	sadd.s32 $0x8F2B, s0  }
0xc0: {  	[sflag:s0] =	ssyncadd.remote.s32 $0x1  }
0xc1: {  	_ =	sfence.sel $0xFFFF  }
0xc2: {  	[dreg:$0x0] =	wrdreg $0xFFFFFFFF;
	(pc) =	sbr.abs _section_cstart, $3  }
0xc3: {  	[dreg:$0x1] =	wrdreg $0xFFFFFFFF  }
0xc4: {  	_ =	task.clear_ibuf [dreg:s8], $0x2FFFF;
	_ =	strace $0x9FFFFFFF  }
0xc5: {  	(tm) =	ssettm $0x7FFFFFFF  }
tec
execute0_lowered:
.L_overlay_start_1:
0x0: {  	(tag) =	ssettag $0x1  }
0x1: {  	s1 =	rddreg [dreg:$0x0]  }
0x2: {  	s6 =	rddreg [dreg:$0x1]  }
0x3: {  	s0 =	srdreg.scid;
	s11 =	rddreg [dreg:$0x2]  }
0x4: {  	s25 =	stileid.u32;
	s2 =	rddreg [dreg:$0x3]  }
0x5: {  	s3 =	simm.s32 $0x0;
	s18 =	simm.s32 $0x10;
	s19 =	simm.s32 $0x80  }
0x6: {  	s20 =	simm.s32 $0x8000;
	s21 =	simm.s32 $0xA800;
	s22 =	simm.s32 $0x5000  }
0x7: {  	s23 =	simm.s32 $0x1;
	s24 =	simm.s32 $0x7000;
	s7 =	smul.u32 $0x2800, s25  }
0x8: {  	s12 =	sand.u32 $0x1, s0;
	[smem:$0x7FF] =	sst s3;
	s13 =	smul.u32 $0x28000, s25  }
0x9: {  	s5 =	sadd.s32 $0x2EE00, s6;
	s31 =	sshll.u32 s25, $0x6;
	s4 =	smul.u32 $0x28000, s12  }
0xa: {  	_ =	strace $0x8000004D;
	s10 =	ssub.s32 $0x2, s12;
	s15 =	smul.u32 $0x2800, s12  }
0xb: {  	s30 =	sshll.u32 s12, $0x3;
	s12 =	smul.u32 $0xA0000, s12;
	s14 =	sadd.s32 s7, s6  }
0xc: {  	s26 =	sshrl.u32 s10, $0x1;
	s28 =	sshrl.u32 s13, $0x2;
	s11 =	sadd.s32 s11, s30  }
0xd: {  	s4 =	sadd.s32 s7, s4;
	s16 =	ssub.s32 s10, s26;
	s10 =	sadd.s32 $0x6E00, s14  }
0xe: {  	s14 =	simm.s32 $0x2;
	s8 =	sshrl.u32 s4, $0x3;
	s4 =	smul.u32 $0x280, s25  }
0xf: {  	s13 =	smax.u32 s16, $0x1;
	s16 =	sor.u32 $0x1C02, s31;
	s25 =	simm.s32 $0x0  }
0x10: {  	s9 =	sadd.s32 s8, s6;
	s7 =	sadd.s32 s1, s8;
	s29 =	sadd.s32 s4, s15  }
0x11: {  	s1 =	sadd.s32 s28, s2;
	s8 =	sadd.s32 $0xCEE00, s9;
	s9 =	sshll.u32 s29, $0x3  }
0x12: {  	s6 =	sadd.s32 $0x56E00, s6;
	s17 =	sshrl.u32 s1, $0x3;
	s9 =	sadd.s32 s5, s9  }
.LBB2_1:
0x13: {  	[tilespmem:s3], [sflag:$0x2] =	stream.linear.gather [hbm4b:s7+s3], $0x2800, $0x38;
	[tilespmem:$0x14840] =	vst v63  }
0x14: {  	_ =	swait.ge [sflag:s14], $0x2800  }
0x15: {  	[sflag:s14] =	ssyncset.done $0x0  }
0x16: {  	s0 =	simm.s32 $0x2800;
	[sflag:s14] =	ssyncadd.s32 $0xFFFFD800  }
0x17: {  	[tilespmem:s0], [sflag:$0x2] =	stream.linear.gather [hbm4b:s8+s3], $0x2800, $0x38;
	[tilespmem:$0x14840] =	vst v63  }
0x18: {  	_ =	swait.ge [sflag:s14], $0x2800  }
0x19: {  	[sflag:s14] =	ssyncset.done $0x0  }
0x1a: {  	[sflag:s14] =	ssyncadd.s32 $0xFFFFD800  }
0x1b: {  	[spmem:s17], [sflag:s16] =	dma.local [hbm:s9], $0x1400  }
0x1c: {  	_ =	swait.ge [sflag:s14], $0x1400  }
0x1d: {  	[sflag:s14] =	ssyncset.done $0x0  }
0x1e: {  	[sflag:s14] =	ssyncadd.s32 $0xFFFFEC00  }
0x1f: {  	[tilespmem:s20], [sflag:$0x2] =	stream.strided.gather [hbm4b:s10+s18], $0x2800, s19, s18, $0x38;
	[tilespmem:$0x14840] =	vst v63  }
0x20: {  	_ =	swait.ge [sflag:s14], $0x2800  }
0x21: {  	[sflag:s14] =	ssyncset.done $0x0  }
0x22: {  	[sflag:s14] =	ssyncadd.s32 $0xFFFFD800  }
0x23: {  	[tilespmem:s21], [sflag:$0x2] =	stream.linear.gather [hbm4b:s11+s3], $0x40, $0x38;
	[tilespmem:$0x14840] =	vst v63  }
0x24: {  	_ =	swait.ge [sflag:s14], $0x40  }
0x25: {  	[sflag:s14] =	ssyncset.done $0x0  }
0x26: {  	[sflag:s14] =	ssyncadd.s32 $0xFFFFFFC0  }
0x27: {  	s1 =	simm.s32 $0x0;
	[bflag:$0x0] =	sbarrier.arrive $0xFFFF  }
0x28: {  	[tilespmem:s22], [sflag:$0x1] =	stream.indirect.gather [hbm4b:s5+s19], $0x40, s1, s19, $0xb8;
	[tilespmem:$0x14840] =	vst v63  }
0x29: {  	_ =	swait.ge [sflag:s23], $0x2000  }
0x2a: {  	[sflag:s23] =	ssyncset.done $0x0  }
0x2b: {  	s31 =	simm.s32 $0x2800;
	[sflag:s23] =	ssyncadd.s32 $0xFFFFE000  }
0x2c: {  	[spmem:s2] =	stream.indirect.scatter.add.f32 [tilespmem:s22], [sflag:$0x2], $0x40, s31, s19, $0xb8;
	[tilespmem:$0x14840] =	vst v63  }
0x2d: {  	_ =	swait.ge [sflag:s14], $0x2000  }
0x2e: {  	s26 =	simm.s32 $0x200;
	s28 =	simm.s32 $0x400;
	[sflag:s14] =	ssyncset.done $0x0  }
.LBB2_2:
0x2f: {  	s1 =	sshra.s32 s26, $0x2  }
0x30: {  	[sflag:s14] =	ssyncadd.s32 $0xFFFFE000;
	s26 =	smov.u32 s28;
	s29 =	sadd.s32 $0x200, s28  }
0x31: {  	[tilespmem:s22], [sflag:$0x1] =	stream.indirect.gather [hbm4b:s5+s19], $0x40, s1, s19, $0xb8;
	[tilespmem:$0x14840] =	vst v63  }
0x32: {  	p0 =	sne.s32 s28, $0x9E00;
	_ =	swait.ge [sflag:s23], $0x2000  }
.Ltmp0:
0x33: {  	[sflag:s23] =	ssyncset.done $0x0;
	(pc) =	sbr.rel @p0 .LBB2_2-.Ltmp0, $4  }
0x34: {  	s1 =	sadd.s32 $0x2800, s1;
	[sflag:s23] =	ssyncadd.s32 $0xFFFFE000  }
0x35: {  	[spmem:s2] =	stream.indirect.scatter.add.f32 [tilespmem:s22], [sflag:$0x2], $0x40, s1, s19, $0xb8;
	[tilespmem:$0x14840] =	vst v63  }
0x36: {  	_ =	swait.ge [sflag:s14], $0x2000  }
0x37: {  	s28 =	smov.u32 s29;
	[sflag:s14] =	ssyncset.done $0x0  }
0x38: {  	s1 =	sshra.s32 s26, $0x2;
	[sflag:s14] =	ssyncadd.s32 $0xFFFFE000  }
0x39: {  	[tilespmem:s22], [sflag:$0x1] =	stream.indirect.gather [hbm4b:s5+s19], $0x40, s1, s19, $0xb8;
	[tilespmem:$0x14840] =	vst v63  }
0x3a: {  	_ =	swait.ge [sflag:s23], $0x2000  }
0x3b: {  	[sflag:s23] =	ssyncset.done $0x0  }
0x3c: {  	s1 =	sadd.s32 $0x2800, s1;
	[sflag:s23] =	ssyncadd.s32 $0xFFFFE000  }
0x3d: {  	[spmem:s2] =	stream.indirect.scatter.add.f32 [tilespmem:s22], [sflag:$0x2], $0x40, s1, s19, $0xb8;
	[tilespmem:$0x14840] =	vst v63  }
0x3e: {  	_ =	swait.ge [sflag:s14], $0x2000  }
0x3f: {  	[sflag:s14] =	ssyncset.done $0x0  }
0x40: {  	[sflag:s14] =	ssyncadd.s32 $0xFFFFE000  }
0x41: {  	s26 =	simm.s32 $0x0;
	s28 =	simm.s32 $0x8000;
	[bflag:$0x0] =	sbarrier.arrive $0xFFFF  }
.LBB2_4:
0x42: {  	s1 =	sshll.u32 s26, $0x6  }
0x43: {  	s1 =	sadd.s32 s4, s1  }
0x44: {  	s29 =	sshll.u32 s1, $0x6  }
0x45: {  	v0 =	vmov s28;
	s1 =	sadd.s32 s29, s2  }
0x46: {  	[tilespmem:s24], [sflag:$0x2] =	stream.linear.gather [spmem:s1], $0x1000, $0x38;
	[tilespmem:$0x14840] =	vst v63  }
0x47: {  	_ =	swait.ge [sflag:s14], $0x1000  }
0x48: {  	[sflag:s14] =	ssyncset.done $0x0  }
0x49: {  	s15 =	simm.s32 $0x0;
	[sflag:s14] =	ssyncadd.s32 $0xFFFFF000  }
0x4a: {  	s30 =	simm.s32 $0x7020;
	v1 =	vld.idx.msk [tilespmem:v0+s15+$0x0 ss:$0x1], $0xffff  }
0x4b: {  	v2 =	vld [tilespmem:s30+$0xFFFFFFE0];
	_ =	sdelay $0x1  }
0x4c: {  	v3 =	vld [tilespmem:$0xA800];
	_ =	sdelay $0x2  }
0x4d: {  	v2 =	vmul.f32 v2, v1;
	_ =	sdelay $0x1  }
0x4e: {  	v2 =	vadd.f32 v3, v2  }
0x4f: {  	v3 =	vld [tilespmem:s30+$0xFFFFFFF0]  }
0x50: {  	[tilespmem:s30+$0xFFFFFFE0] =	vst v2  }
0x51: {  	v2 =	vld [tilespmem:$0xA810];
	_ =	sdelay $0x2  }
0x52: {  	v3 =	vmul.f32 v3, v1;
	_ =	sdelay $0x1  }
0x53: {  	v2 =	vadd.f32 v2, v3  }
0x54: {  	v3 =	vld [tilespmem:s30+$0x0]  }
0x55: {  	[tilespmem:s30+$0xFFFFFFF0] =	vst v2  }
0x56: {  	v2 =	vld [tilespmem:$0xA820];
	_ =	sdelay $0x2  }
0x57: {  	v3 =	vmul.f32 v3, v1;
	_ =	sdelay $0x1  }
0x58: {  	v2 =	vadd.f32 v2, v3  }
0x59: {  	v3 =	vld [tilespmem:s30+$0x10]  }
0x5a: {  	[tilespmem:s30+$0x0] =	vst v2  }
0x5b: {  	v2 =	vld [tilespmem:$0xA830];
	_ =	sdelay $0x2  }
0x5c: {  	v1 =	vmul.f32 v3, v1;
	_ =	sdelay $0x1  }
0x5d: {  	s31 =	simm.s32 $0x40;
	s1 =	simm.s32 $0x80;
	v1 =	vadd.f32 v2, v1  }
.LBB2_5:
0x5e: {  	s0 =	sshra.s32 s31, $0x2  }
0x5f: {  	s31 =	smov.u32 s1;
	s15 =	sadd.s32 $0x40, s1;
	[tilespmem:s30+$0x10] =	vst v1;
	s30 =	sadd.s32 $0x40, s30  }
0x60: {  	p0 =	sne.s32 s1, $0xFC0;
	v1 =	vld.idx.msk [tilespmem:v0+s0+$0x0 ss:$0x1], $0xffff  }
0x61: {  	v2 =	vld [tilespmem:s30+$0xFFFFFFE0];
	_ =	sdelay $0x1  }
0x62: {  	v3 =	vld [tilespmem:$0xA800];
	_ =	sdelay $0x2  }
0x63: {  	v2 =	vmul.f32 v2, v1;
	_ =	sdelay $0x1  }
0x64: {  	v2 =	vadd.f32 v3, v2  }
0x65: {  	v3 =	vld [tilespmem:s30+$0xFFFFFFF0]  }
0x66: {  	[tilespmem:s30+$0xFFFFFFE0] =	vst v2  }
0x67: {  	v2 =	vld [tilespmem:$0xA810];
	_ =	sdelay $0x2  }
0x68: {  	v3 =	vmul.f32 v3, v1;
	_ =	sdelay $0x1  }
0x69: {  	v2 =	vadd.f32 v2, v3  }
0x6a: {  	v3 =	vld [tilespmem:s30+$0x0]  }
0x6b: {  	[tilespmem:s30+$0xFFFFFFF0] =	vst v2  }
0x6c: {  	v2 =	vld [tilespmem:$0xA820];
	_ =	sdelay $0x2  }
0x6d: {  	v3 =	vmul.f32 v3, v1;
	_ =	sdelay $0x1  }
0x6e: {  	v2 =	vadd.f32 v2, v3  }
0x6f: {  	v3 =	vld [tilespmem:s30+$0x10]  }
0x70: {  	[tilespmem:s30+$0x0] =	vst v2  }
0x71: {  	v2 =	vld [tilespmem:$0xA830]  }
.Ltmp1:
0x72: {  	(pc) =	sbr.rel @p0 .LBB2_5-.Ltmp1, $3  }
0x73: {  	_ = 	snop  }
0x74: {  	v1 =	vmul.f32 v3, v1;
	_ =	sdelay $0x1  }
0x75: {  	s1 =	smov.u32 s15;
	v1 =	vadd.f32 v2, v1  }
0x76: {  	_ =	sdelay $0x2  }
0x77: {  	s0 =	sshra.s32 s31, $0x2;
	[tilespmem:s30+$0x10] =	vst v1  }
0x78: {  	s1 =	sadd.s32 $0x40, s30;
	v0 =	vld.idx.msk [tilespmem:v0+s0+$0x0 ss:$0x1], $0xffff  }
0x79: {  	v1 =	vld [tilespmem:s1+$0xFFFFFFE0];
	_ =	sdelay $0x1  }
0x7a: {  	v2 =	vld [tilespmem:$0xA800];
	_ =	sdelay $0x2  }
0x7b: {  	v1 =	vmul.f32 v1, v0;
	_ =	sdelay $0x1  }
0x7c: {  	v1 =	vadd.f32 v2, v1  }
0x7d: {  	v61 =	vld [tilespmem:s1+$0xFFFFFFF0]  }
0x7e: {  	[tilespmem:s1+$0xFFFFFFE0] =	vst v1  }
0x7f: {  	v1 =	vld [tilespmem:$0xA810];
	_ =	sdelay $0x2  }
0x80: {  	v2 =	vmul.f32 v61, v0;
	_ =	sdelay $0x1  }
0x81: {  	v1 =	vadd.f32 v1, v2  }
0x82: {  	v62 =	vld [tilespmem:s1+$0x0]  }
0x83: {  	[tilespmem:s1+$0xFFFFFFF0] =	vst v1  }
0x84: {  	v1 =	vld [tilespmem:$0xA820];
	_ =	sdelay $0x2  }
0x85: {  	v2 =	vmul.f32 v62, v0;
	_ =	sdelay $0x1  }
0x86: {  	v1 =	vadd.f32 v1, v2  }
0x87: {  	v63 =	vld [tilespmem:s1+$0x10]  }
0x88: {  	[tilespmem:s1+$0x0] =	vst v1  }
0x89: {  	v1 =	vld [tilespmem:$0xA830];
	_ =	sdelay $0x2  }
0x8a: {  	v0 =	vmul.f32 v63, v0;
	_ =	sdelay $0x1  }
0x8b: {  	s31 =	sadd.s32 s12, s29;
	s26 =	sadd.s32 $0x1, s26;
	v0 =	vadd.f32 v1, v0  }
0x8c: {  	p0 =	sne.s32 s26, $0xA;
	s0 =	sshrl.u32 s31, $0x3  }
.Ltmp2:
0x8d: {  	s0 =	sadd.s32 s6, s0;
	[tilespmem:s1+$0x10] =	vst v0;
	(pc) =	sbr.rel @p0 .LBB2_4-.Ltmp2, $4  }
0x8e: {  	[hbm4b:s0+s3] =	stream.linear.scatter [tilespmem:s24], [sflag:$0x2], $0x1000, $0x38;
	[tilespmem:$0x14840] =	vst v63  }
0x8f: {  	_ =	swait.ge [sflag:s14], $0x1000  }
0x90: {  	[sflag:s14] =	ssyncset.done $0x0  }
0x91: {  	s28 =	sadd.s32 $0x400, s28;
	[sflag:s14] =	ssyncadd.s32 $0xFFFFF000  }
0x92: {  	s25 =	sadd.s32 $0x1, s25  }
0x93: {  	p0 =	sne.s32 s25, s13  }
.Ltmp3:
0x94: {  	_ = 	snop;
	(pc) =	sbr.rel @p0 .LBB2_1-.Ltmp3, $1  }
0x95: {  	_ =	sdelay $0x3  }
0x96: {  	_ =	sfence.sel $0x180000  }
0x97: {  	[bflag:$0x0] =	sbarrier.arrive $0xFFFF  }
0x98: {  	_ =	strace $0x9000004D  }
0x99: {  	s0 =	stileid.u32;
	[bflag:$0x2] =	sbarrier.arrive $0xFFFF  }
0x9a: {  	p0 =	sne.s32 s0, $0x0;
	s0 =	rddreg [dreg:$0x4]  }
0x9b: {  	s0 =	sadd.s32 @!p0 $0x100000, s0  }
0x9c: {  	[sflag:s0] =	ssyncadd.tile.s32 @!p0 $0x1;
	_ =	shalt  }
.Lfunc_end2:
_tile_overlayer_lowered:
.L_overlay_start_2:
0x9d: {  	(tag) =	ssettag $0x2  }
0x9e: {  	s0 =	rddreg [dreg:$0x0];
	s2 =	stileid.u32  }
0x9f: {  	s1 =	rddreg [dreg:$0x1];
	p0 =	sne.s32 s2, $0x0  }
0xa0: {  	s3 =	rddreg [dreg:$0x2];
	[bflag:$0x3] =	sbarrier.arrive $0xFFFF;
	s2 =	simm.s32 @!p0 $0x1C02  }
0xa1: {  	[timem:s3], [sflag:s2] =	dma.local @!p0 [hbm:s0], s1  }
0xa2: {  	s0 =	simm.s32 @!p0 $0x2  }
0xa3: {  	_ =	swait.ge @!p0 [sflag:s0], s1  }
0xa4: {  	s1 =	ssub.s32 @!p0 $0x0, s1;
	[sflag:s0] =	ssyncset.done @!p0 $0x0  }
0xa5: {  	[sflag:s0] =	ssyncadd.s32 @!p0 s1  }
0xa6: {  	[bflag:$0x3] =	sbarrier.arrive $0xFFFF  }
0xa7: {  	_ =	shalt  }

// kernel: kernel.7.cloned.1.call-start
scs
__scs_entry_jumppad:
0x0: {  	(pc) =	sbr.rel $0x88, $3  }
0x1: {  	(tag) =	ssettag $0x0;
	lr =	simm.s32 $0x1  }
0x2: {  	[smem:$0x3F9B] =	sst lr;
	_ =	strace $0xD0000000  }
0x3: {  	_ = 	snop  }
0x4: {  	_ = 	snop  }
0x5: {  	_ = 	snop  }
0x6: {  	_ = 	snop  }
0x7: {  	_ = 	snop  }
__scs_overlays_trampoline_lowered:
0x8: {  	[smem:$0x3FAA] =	sst s0  }
0x9: {  	[smem:$0x3FAB] =	sst s1  }
0xa: {  	[smem:$0x3FAC] =	sst s2  }
0xb: {  	[smem:$0x3FAD] =	sst s3  }
0xc: {  	[smem:$0x3FAE] =	sst s4  }
0xd: {  	[smem:$0x3FAF] =	sst s5  }
0xe: {  	[smem:$0x3FB0] =	sst s6  }
0xf: {  	[smem:$0x3FB1] =	sst s7  }
0x10: {  	[smem:$0x3FB2] =	sst s8  }
0x11: {  	[smem:$0x3FB3] =	sst s9;
	s0 =	simm.s32 @!p0 $0x0  }
0x12: {  	s1 =	sld [smem:$0x3F99];
	s0 =	simm.s32 @p0 $0x1  }
0x13: {  	[smem:$0x3FB4] =	sst s0;
	s0 =	simm.s32 @!p1 $0x0  }
0x14: {  	s2 =	sld [smem:$0x3F98];
	s0 =	simm.s32 @p1 $0x1  }
0x15: {  	[smem:$0x3FB5] =	sst s0;
	s0 =	simm.s32 @!p2 $0x0  }
0x16: {  	s3 =	sld [smem:$0x3FDB];
	s0 =	simm.s32 @p2 $0x1  }
0x17: {  	s4 =	simm.s32 $0x1BF5;
	[smem:$0x3FB7] =	sst s0  }
0x18: {  	s0 =	sld [smem:$0x3F9A];
	_ =	swait.ge [sflag:s4], $0x0  }
0x19: {  	s7 =	sld [smem:$0x3F9B]  }
0x1a: {  	s8 =	sadd.s32 $0xFFFFE003, lr  }
0x1b: {  	s9 =	sadd.s32 $0xFFFFFEF7, lr;
	s5 =	simm.s32 $0xFFFFFFFF;
	p2 =	slt.u32 s8, $0xFFFFF086  }
0x1c: {  	p1 =	slt.u32 s9, $0xF7A;
	s5 =	simm.s32 @!p2 $0x0  }
0x1d: {  	s5 =	simm.s32 @p1 $0x1;
	p0 =	seq.s32 s7, s2  }
0x1e: {  	s7 =	smul.u32 @!p0 $0xF7A, s2;
	p2 =	seq.s32 @!p0 s5, $0x0  }
0x1f: {  	s9 =	smul.u32 $0xF7A, s1;
	s8 =	simm.s32 @!p0 $0x1BF5;
	p2 =	por !p2, p0  }
0x20: {  	[sflag:s8] =	ssyncset.s32 @!p0 $0xFFFFF086;
	s6 =	sadd.s32 @!p0 s3, s7;
	s7 =	simm.s32 @!p0 $0x108  }
0x21: {  	s3 =	sadd.s32 s3, s9;
	s6 =	sadd.s32 @!p0 $0x88, s6;
	s7 =	simm.s32 @p2 $0x1082  }
0x22: {  	[simem:s7], [sflag:s8] =	dma.local @!p0 [hbm:s6], $0xF7A  }
0x23: {  	s9 =	sor.u32 $0xD0000000, s2;
	s6 =	simm.s32 $0x108;
	_ =	swait.ge @!p0 [sflag:s8], $0x0  }
0x24: {  	s3 =	sadd.s32 $0x88, s3;
	s6 =	simm.s32 @!p1 $0x1082;
	[sflag:s4] =	ssyncset.s32 $0xFFFFF086  }
0x25: {  	[simem:s6], [sflag:s4] =	dma.local [hbm:s3], $0xF7A  }
0x26: {  	[smem:$0x3F9B] =	sst s1;
	(tag) =	ssettag s2;
	_ =	strace s9  }
0x27: {  	s1 =	sld [smem:$0x3FAB]  }
0x28: {  	s2 =	sld [smem:$0x3FAC]  }
0x29: {  	s4 =	sld [smem:$0x3FAE]  }
0x2a: {  	p0 =	seq.s32 s5, $0x0;
	s5 =	sld [smem:$0x3FAF]  }
0x2b: {  	s6 =	sld [smem:$0x3FB0]  }
0x2c: {  	s7 =	sld [smem:$0x3FB1]  }
0x2d: {  	s3 =	simm.s32 $0x108;
	s8 =	sld [smem:$0x3FB2]  }
0x2e: {  	s3 =	simm.s32 @!p0 $0x1082;
	s9 =	sld [smem:$0x3FB3]  }
0x2f: {  	lr =	sadd.s32 s0, s3;
	s0 =	sld [smem:$0x3FAA]  }
0x30: {  	s3 =	sld [smem:$0x3FAD]  }
0x31: {  	[smem:$0x3FB6] =	sst s10  }
0x32: {  	s10 =	sld [smem:$0x3FB4];
	_ =	sdelay $0x3  }
0x33: {  	p0 =	seq.s32 s10, $0x1;
	s10 =	sld [smem:$0x3FB6];
	_ =	sdelay $0x3  }
0x34: {  	[smem:$0x3FB6] =	sst s10  }
0x35: {  	s10 =	sld [smem:$0x3FB5];
	_ =	sdelay $0x3  }
0x36: {  	p1 =	seq.s32 s10, $0x1;
	s10 =	sld [smem:$0x3FB6];
	_ =	sdelay $0x3  }
0x37: {  	[smem:$0x3FB6] =	sst s10  }
0x38: {  	s10 =	sld [smem:$0x3FB7]  }
0x39: {  	_ = 	snop;
	(pc) =	sbr.ind lr, $3  }
0x3a: {  	_ = 	snop  }
0x3b: {  	_ = 	snop  }
0x3c: {  	p2 =	seq.s32 s10, $0x1;
	s10 =	sld [smem:$0x3FB6]  }
0x3d: {  	_ =	shalt  }
0x3e: {  	_ =	shalt  }
0x3f: {  	_ =	shalt  }
0x40: {  	_ =	shalt  }
0x41: {  	_ =	shalt  }
0x42: {  	_ =	shalt  }
0x43: {  	_ =	shalt  }
0x44: {  	_ =	shalt  }
0x45: {  	_ =	shalt  }
0x46: {  	_ =	shalt  }
0x47: {  	_ =	shalt  }
0x48: {  	_ =	shalt  }
0x49: {  	_ =	shalt  }
0x4a: {  	_ =	shalt  }
0x4b: {  	_ =	shalt  }
0x4c: {  	_ =	shalt  }
0x4d: {  	_ =	shalt  }
0x4e: {  	_ =	shalt  }
0x4f: {  	_ =	shalt  }
0x50: {  	_ =	shalt  }
0x51: {  	_ =	shalt  }
0x52: {  	_ =	shalt  }
0x53: {  	_ =	shalt  }
0x54: {  	_ =	shalt  }
0x55: {  	_ =	shalt  }
0x56: {  	_ =	shalt  }
0x57: {  	_ =	shalt  }
0x58: {  	_ =	shalt  }
0x59: {  	_ =	shalt  }
0x5a: {  	_ =	shalt  }
0x5b: {  	_ =	shalt  }
0x5c: {  	_ =	shalt  }
0x5d: {  	_ =	shalt  }
0x5e: {  	_ =	shalt  }
0x5f: {  	_ =	shalt  }
0x60: {  	_ =	shalt  }
0x61: {  	_ =	shalt  }
0x62: {  	_ =	shalt  }
0x63: {  	_ =	shalt  }
0x64: {  	_ =	shalt  }
0x65: {  	_ =	shalt  }
0x66: {  	_ =	shalt  }
0x67: {  	_ =	shalt  }
0x68: {  	_ =	shalt  }
0x69: {  	_ =	shalt  }
0x6a: {  	_ =	shalt  }
0x6b: {  	_ =	shalt  }
0x6c: {  	_ =	shalt  }
0x6d: {  	_ =	shalt  }
0x6e: {  	_ =	shalt  }
0x6f: {  	_ =	shalt  }
0x70: {  	_ =	shalt  }
0x71: {  	_ =	shalt  }
0x72: {  	_ =	shalt  }
0x73: {  	_ =	shalt  }
0x74: {  	_ =	shalt  }
0x75: {  	_ =	shalt  }
0x76: {  	_ =	shalt  }
0x77: {  	_ =	shalt  }
0x78: {  	_ =	shalt  }
0x79: {  	_ =	shalt  }
0x7a: {  	_ =	shalt  }
0x7b: {  	_ =	shalt  }
0x7c: {  	_ =	shalt  }
0x7d: {  	_ =	shalt  }
0x7e: {  	_ =	shalt  }
0x7f: {  	_ =	shalt  }
0x80: {  	_ =	shalt  }
0x81: {  	_ =	shalt  }
0x82: {  	_ =	shalt  }
0x83: {  	_ =	shalt  }
0x84: {  	_ =	shalt  }
0x85: {  	_ =	shalt  }
0x86: {  	_ =	shalt  }
0x87: {  	_ =	shalt  }
.Lfunc_end0:
.L_simem_size_0:
called_computation_lowered:
.L_overlay_start_0:
0x88: {  	s2 =	sld [smem:$0x3FD9]  }
0x89: {  	s3 =	sld [smem:$0x3FFE];
	_ =	sdelay $0x1  }
0x8a: {  	s1 =	srdreg.scid  }
0x8b: {  	s0 =	sand.u32 $0x1, s1  }
0x8c: {  	s16 =	sshll.u32 s0, $0xA;
	s2 =	sadd.s32 s3, s2  }
0x8d: {  	s2 =	sadd.s32 s2, s16  }
0x8e: {  	[smem:$0x3FC2] =	sst s2  }
0x8f: {  	_ = 	snop  }
0x90: {  	(tm) =	ssettm $0x1  }
0x91: {  	s17 =	sld [smem:$0x3FFB];
	_ =	sdelay $0x3  }
0x92: {  	_ =	strace s17  }
0x93: {  	s2 =	sld [smem:$0x3FFC];
	_ =	sdelay $0x3  }
0x94: {  	_ =	strace s2  }
0x95: {  	s2 =	sld [smem:$0x3FFD];
	_ =	sdelay $0x3  }
0x96: {  	_ =	strace s2  }
0x97: {  	_ =	strace $0x8FFFFFFF  }
0x98: {  	s18 =	sld [smem:$0x3FDB];
	_ =	sdelay $0x1  }
0x99: {  	s19 =	simm.s32 $_scs_section_size  }
0x9a: {  	s4 =	simm.s32 $_size__tile_overlayer_lowered;
	s5 =	simm.s32 $_tile_overlayer_lowered  }
0x9b: {  	s22 =	simm.s32 $0x1BFF;
	s21 =	sshll.u32 s5, $0x1;
	s2 =	sadd.s32 s19, s18  }
0x9c: {  	s6 =	simm.s32 $0x0;
	s20 =	sshll.u32 s4, $0x1;
	s4 =	sadd.s32 s21, s2  }
0x9d: {  	[timem:s6], [sflag:s22] =	dma.local [hbm:s4], s20  }
0x9e: {  	_ =	swait.ge [sflag:s22], s20  }
0x9f: {  	s3 =	ssub.s32 $0x0, s20;
	[sflag:s22] =	ssyncset.done $0x0  }
0xa0: {  	[sflag:s22] =	ssyncadd.s32 s3;
	_ =	sdelay $0x1  }
0xa1: {  	s23 =	simm.s32 $0x1B8B  }
0xa2: {  	_ =	swait.ge [sflag:s23], $0x1  }
0xa3: {  	[sflag:s23] =	ssyncset.done $0x0  }
0xa4: {  	s25 =	simm.s32 $0x1B8E;
	s24 =	sld [smem:$0x3FFE];
	[sflag:s23] =	ssyncadd.s32 $0xFFFFFFFF  }
0xa5: {  	s26 =	simm.s32 $execute0_lowered;
	[smem:$0x3FD2] =	sst s25  }
0xa6: {  	s4 =	sshll.u32 s26, $0x1;
	_ =	strace $0x80000046;
	[dreg:$0x1] =	wrdreg $0xFFFFFFFF  }
0xa7: {  	s28 =	simm.s32 $_size_execute0_lowered;
	s2 =	sadd.s32 s2, s4;
	[dreg:$0x0] =	wrdreg $0x0  }
0xa8: {  	s4 =	sshll.u32 s28, $0x1;
	[dreg:$0x2] =	wrdreg s2  }
0xa9: {  	[dreg:$0x3] =	wrdreg s4  }
0xaa: {  	[dreg:$0x4] =	wrdreg $0xC0  }
0xab: {  	_ =	task [dreg:s6], $0x5FFFF  }
0xac: {  	[dreg:$0x1] =	wrdreg $0xFFFFFFFF  }
0xad: {  	[dreg:$0x0] =	wrdreg $0x60  }
0xae: {  	[dreg:$0x2] =	wrdreg s24  }
0xaf: {  	[dreg:$0x3] =	wrdreg $0x14800  }
0xb0: {  	[dreg:$0x4] =	wrdreg $0x9  }
0xb1: {  	_ =	task.clear_ibuf [dreg:s6], $0x5FFFF;
	_ =	strace $0x90000046  }
0xb2: {  	s29 =	simm.s32 $0x9;
	_ =	strace $0x80000048  }
0xb3: {  	_ =	swait.ge [sflag:s29], $0x1  }
0xb4: {  	[sflag:s29] =	ssyncadd.s32 $0xFFFFFFFF  }
0xb5: {  	_ =	strace $0x90000048  }
0xb6: {  	_ =	sfence  }
0xb7: {  	s30 =	sld [smem:$0x0];
	_ =	sdelay $0x2  }
0xb8: {  	s31 =	sshll.u32 s1, $0xD;
	s1 =	sshrl.u32 s1, $0x2  }
0xb9: {  	s3 =	sand.u32 $0x4000, s31;
	s1 =	sadd.s32 s1, s30  }
0xba: {  	s0 =	sor.u32 s3, s0;
	s1 =	sshll.u32 s1, $0x11  }
0xbb: {  	s0 =	sor.u32 s1, s0  }
0xbc: {  	s0 =	sadd.s32 $0x8F2B, s0  }
0xbd: {  	[sflag:s0] =	ssyncadd.remote.s32 $0x1  }
0xbe: {  	_ =	sfence.sel $0xFFFF  }
0xbf: {  	[dreg:$0x0] =	wrdreg $0xFFFFFFFF;
	(pc) =	sbr.abs _section_cstart, $3  }
0xc0: {  	[dreg:$0x1] =	wrdreg $0xFFFFFFFF  }
0xc1: {  	_ =	task.clear_ibuf [dreg:s6], $0x2FFFF;
	_ =	strace $0x9FFFFFFF  }
0xc2: {  	(tm) =	ssettm $0x7FFFFFFF  }
0xc3: {  	_ =	shalt  }
tec
execute0_lowered:
.L_overlay_start_1:
0x0: {  	(tag) =	ssettag $0x1  }
0x1: {  	s4 =	rddreg [dreg:$0x0]  }
0x2: {  	s0 =	srdreg.scid;
	s2 =	rddreg [dreg:$0x1]  }
0x3: {  	s1 =	rddreg [dreg:$0x2];
	s3 =	simm.s32 $0x0;
	s5 =	sand.u32 $0x1, s0  }
0x4: {  	s12 =	simm.s32 $0x1400;
	s0 =	stileid.u32;
	s6 =	smul.u32 $0x14000, s5  }
0x5: {  	s13 =	simm.s32 $0x20;
	s14 =	simm.s32 $0x10;
	s7 =	smul.u32 $0x1400, s0  }
0x6: {  	s15 =	simm.s32 $0x0;
	[smem:$0x7FF] =	sst s3;
	s28 =	smul.u32 $0x500, s0  }
0x7: {  	s8 =	smul.u32 $0x280, s0;
	s9 =	sshll.u32 s5, $0x7;
	s5 =	ssub.s32 $0x2, s5  }
0x8: {  	_ =	strace $0x80000047;
	s31 =	sshll.u32 s0, $0x6;
	s30 =	sshrl.u32 s5, $0x1  }
0x9: {  	s6 =	sadd.s32 s7, s6;
	s7 =	sor.u32 s9, s28;
	s29 =	sshrl.u32 s8, $0x3  }
0xa: {  	s10 =	ssub.s32 s5, s30;
	s11 =	sadd.s32 s8, s2;
	s8 =	simm.s32 $0x1  }
0xb: {  	s6 =	sshrl.u32 s6, $0x3;
	s7 =	sshrl.u32 s7, $0x3;
	s9 =	sadd.s32 s29, s4  }
0xc: {  	s6 =	sadd.s32 s6, s4;
	s7 =	sadd.s32 s7, s4;
	s5 =	sadd.s32 $0x6E00, s9  }
0xd: {  	s9 =	sor.u32 $0x1C01, s31;
	s4 =	sadd.s32 $0x1E00, s6;
	s6 =	sadd.s32 $0x7400, s7  }
0xe: {  	v0 =	vimm.f32 $1.000000000e+00;
	s7 =	smax.u32 s10, $0x1;
	s10 =	sshrl.u32 s11, $0x3;
	s11 =	simm.s32 $0x80  }
.LBB2_1:
0xf: {  	[tilespmem:s3], [sflag:$0x1] =	stream.linear.gather [hbm4b:s4+s3], $0x1400, $0x38;
	[tilespmem:$0x1700] =	vst v63  }
0x10: {  	_ =	swait.ge [sflag:s8], $0x1400  }
0x11: {  	[sflag:s8] =	ssyncset.done $0x0  }
0x12: {  	[sflag:s8] =	ssyncadd.s32 $0xFFFFEC00  }
0x13: {  	[tilespmem:$0x1400] =	vst v0  }
0x14: {  	[tilespmem:$0x1410] =	vst v0  }
0x15: {  	[tilespmem:$0x1420] =	vst v0  }
0x16: {  	[tilespmem:$0x1430] =	vst v0  }
0x17: {  	[tilespmem:$0x1440] =	vst v0  }
0x18: {  	[tilespmem:$0x1450] =	vst v0  }
0x19: {  	[tilespmem:$0x1460] =	vst v0  }
0x1a: {  	[tilespmem:$0x1470] =	vst v0  }
0x1b: {  	[spmem:s10], [sflag:s9] =	dma.local [hbm:s5], $0x50  }
0x1c: {  	_ =	swait.ge [sflag:s8], $0x50  }
0x1d: {  	[sflag:s8] =	ssyncset.done $0x0  }
0x1e: {  	[sflag:s8] =	ssyncadd.s32 $0xFFFFFFB0  }
0x1f: {  	s16 =	simm.s32 $0x0;
	[bflag:$0x0] =	sbarrier.arrive $0xFFFF  }
0x20: {  	[spmem:s2] =	stream.indirect.scatter.add.f32 [tilespmem:s12], [sflag:$0x1], $0x1, s16, s11, $0xb8;
	[tilespmem:$0x1700] =	vst v63  }
0x21: {  	_ =	swait.ge [sflag:s8], $0x80  }
0x22: {  	s16 =	simm.s32 $0x200;
	[sflag:s8] =	ssyncset.done $0x0  }
.LBB2_2:
0x23: {  	s17 =	sshra.s32 s16, $0x2;
	[sflag:s8] =	ssyncadd.s32 $0xFFFFFF80;
	p0 =	sne.s32 s16, $0x4E00  }
0x24: {  	[spmem:s2] =	stream.indirect.scatter.add.f32 [tilespmem:s12], [sflag:$0x1], $0x1, s17, s11, $0xb8;
	[tilespmem:$0x1700] =	vst v63  }
.Ltmp0:
0x25: {  	_ = 	snop;
	(pc) =	sbr.rel @p0 .LBB2_2-.Ltmp0, $4  }
0x26: {  	_ = 	snop  }
0x27: {  	s16 =	sadd.s32 $0x200, s16  }
0x28: {  	_ =	swait.ge [sflag:s8], $0x80  }
0x29: {  	[sflag:s8] =	ssyncset.done $0x0  }
0x2a: {  	s15 =	sadd.s32 $0x1, s15  }
0x2b: {  	[sflag:s8] =	ssyncadd.s32 $0xFFFFFF80;
	p0 =	sne.s32 s15, s7  }
.Ltmp1:
0x2c: {  	[bflag:$0x0] =	sbarrier.arrive $0xFFFF;
	(pc) =	sbr.rel @p0 .LBB2_1-.Ltmp1, $4  }
0x2d: {  	[hbm:s6@s13], [sflag:s9] =	dma.strided [spmem:s10@s14], $0x50, s8, $0x10   }
0x2e: {  	_ =	swait.ge [sflag:s8], $0x50  }
0x2f: {  	[sflag:s8] =	ssyncset.done $0x0  }
0x30: {  	[sflag:s8] =	ssyncadd.s32 $0xFFFFFFB0  }
0x31: {  	_ =	sfence.sel $0x180000  }
0x32: {  	[bflag:$0x0] =	sbarrier.arrive $0xFFFF  }
0x33: {  	p0 =	sne.s32 s0, $0x0;
	_ =	strace $0x90000047  }
0x34: {  	s0 =	sadd.s32 @!p0 $0x100000, s1;
	[bflag:$0x2] =	sbarrier.arrive $0xFFFF  }
0x35: {  	[sflag:s0] =	ssyncadd.tile.s32 @!p0 $0x1;
	_ =	shalt  }
.Lfunc_end2:
_tile_overlayer_lowered:
.L_overlay_start_2:
0x36: {  	(tag) =	ssettag $0x2  }
0x37: {  	s0 =	rddreg [dreg:$0x0];
	s2 =	stileid.u32  }
0x38: {  	s1 =	rddreg [dreg:$0x1];
	p0 =	sne.s32 s2, $0x0  }
0x39: {  	s3 =	rddreg [dreg:$0x2];
	[bflag:$0x3] =	sbarrier.arrive $0xFFFF;
	s2 =	simm.s32 @!p0 $0x1C01  }
0x3a: {  	[timem:s3], [sflag:s2] =	dma.local @!p0 [hbm:s0], s1  }
0x3b: {  	s0 =	simm.s32 @!p0 $0x1  }
0x3c: {  	_ =	swait.ge @!p0 [sflag:s0], s1  }
0x3d: {  	s1 =	ssub.s32 @!p0 $0x0, s1;
	[sflag:s0] =	ssyncset.done @!p0 $0x0  }
0x3e: {  	[sflag:s0] =	ssyncadd.s32 @!p0 s1  }
0x3f: {  	[bflag:$0x3] =	sbarrier.arrive $0xFFFF  }
0x40: {  	_ =	shalt  }

</sc_bundles>
